<compile_context>
chip_gen: v7x
topology: tpu7x:2x2x1
jax: 0.10.2.dev20260603
libtpu: 0.0.44.dev20260713+nightly
codegen_flags: <defaults>
</compile_context>

<pallas_src>
import functools

import jax
import jax.numpy as jnp
from jax.experimental import pallas as pl
from jax.experimental.pallas import tpu as pltpu
from jax.experimental.pallas import tpu_sc as plsc

N_EMBED = 1024
EMBED_DIM = 64
BETA = 0.25

N_TOKENS = 4 * 8 * 32 * 32
BLK_T = 2048
NUM_BLK = N_TOKENS // BLK_T



def _vq_body(zb_ref, emb_ref, embt2_ref,
             zq_ref, idx_ref, loss_ref, ppl_ref,
             esq_ref, counts_ref, lacc_ref):
    i = pl.program_id(0)
    emb = emb_ref[...]
    embt2 = embt2_ref[...]

    @pl.when(i == 0)
    def _init():
        esq_ref[...] = jnp.sum((0.5 * embt2) * (0.5 * embt2), axis=0)[None, :]
        counts_ref[...] = jnp.zeros_like(counts_ref)
        lacc_ref[...] = jnp.zeros_like(lacc_ref)
        loss_ref[...] = jnp.zeros_like(loss_ref)
        ppl_ref[...] = jnp.zeros_like(ppl_ref)

    zb = zb_ref[...]
    zsq = jnp.sum(zb * zb, axis=1, keepdims=True)
    mm2 = jnp.dot(zb, embt2, preferred_element_type=jnp.float32)
    d = (zsq + esq_ref[...]) - mm2

    dmin = jnp.min(d, axis=1, keepdims=True)
    iotaf = jax.lax.broadcasted_iota(
        jnp.int32, (1, N_EMBED), 1).astype(jnp.float32)
    idxf = jnp.min(jnp.where(d == dmin, iotaf, float(N_EMBED)), axis=1)
    enc = (iotaf == idxf[:, None]).astype(jnp.float32)
    idx = idxf.astype(jnp.int32)

    zq = jax.lax.dot_general(
        enc, emb, (((1,), (0,)), ((), ())),
        preferred_element_type=jnp.float32)
    zq_ref[...] = zb + (zq - zb)
    idx_ref[...] = idx[:, None]

    counts_ref[...] += jnp.sum(enc, axis=0)[None, :]
    lacc_ref[...] += jnp.sum((zq - zb) ** 2)[None, None]

    @pl.when(i == NUM_BLK - 1)
    def _fini():
        p = counts_ref[...] * (1.0 / N_TOKENS)
        ent = jnp.sum(p * jnp.log(p + 1e-10))
        ppl_ref[...] = jnp.exp(-ent)[None, None]
        loss_ref[...] = lacc_ref[...] * (BETA / (N_TOKENS * EMBED_DIM))


def _vq_call(z_flat, emb, embt2):
    return pl.pallas_call(
        _vq_body,
        grid=(NUM_BLK,),
        in_specs=[
            pl.BlockSpec((BLK_T, EMBED_DIM), lambda i: (i, 0)),
            pl.BlockSpec((N_EMBED, EMBED_DIM), lambda i: (0, 0)),
            pl.BlockSpec((EMBED_DIM, N_EMBED), lambda i: (0, 0)),
        ],
        out_specs=[
            pl.BlockSpec((BLK_T, EMBED_DIM), lambda i: (i, 0)),
            pl.BlockSpec((BLK_T, 1), lambda i: (i, 0)),
            pl.BlockSpec((1, 1), lambda i: (0, 0)),
            pl.BlockSpec((1, 1), lambda i: (0, 0)),
        ],
        out_shape=[
            jax.ShapeDtypeStruct((N_TOKENS, EMBED_DIM), jnp.float32),
            jax.ShapeDtypeStruct((N_TOKENS, 1), jnp.int32),
            jax.ShapeDtypeStruct((1, 1), jnp.float32),
            jax.ShapeDtypeStruct((1, 1), jnp.float32),
        ],
        scratch_shapes=[
            pltpu.VMEM((1, N_EMBED), jnp.float32),
            pltpu.VMEM((1, N_EMBED), jnp.float32),
            pltpu.VMEM((1, 1), jnp.float32),
        ],
    )(z_flat, emb, embt2)



_NC = 2
_NS = 16
_NW = _NC * _NS
_ROWS_PER_W = N_TOKENS // _NW
_ZROWS = 64
_ZCH = _ZROWS * N_EMBED
_NZ = _ROWS_PER_W // _ZROWS
_ENC_ELEMS = N_TOKENS * N_EMBED

_SC_MESH = plsc.VectorSubcoreMesh(core_axis_name="c", subcore_axis_name="s")


@functools.partial(
    pl.kernel, mesh=_SC_MESH, out_type=(),
    scratch_types=[
        pltpu.VMEM((_ZCH,), jnp.float32),
        pltpu.SemaphoreType.DMA,
    ])
def _sc_zero(enc_hbm, zsrc_hbm, zbuf, zsem):
    wid = jax.lax.axis_index("s") * _NC + jax.lax.axis_index("c")
    base = wid * _ROWS_PER_W * N_EMBED
    pltpu.sync_copy(zsrc_hbm, zbuf)
    copies = []
    for j in range(_NZ):
        copies.append(pltpu.async_copy(
            zbuf, enc_hbm.at[pl.ds(base + j * _ZCH, _ZCH)], zsem))
    for c in copies:
        c.wait()


@functools.partial(
    pl.kernel, mesh=_SC_MESH, out_type=(),
    scratch_types=[
        pltpu.VMEM((_ROWS_PER_W,), jnp.int32),
        pltpu.VMEM((8, 128), jnp.int32),
        pltpu.VMEM((128,), jnp.float32),
        pltpu.SemaphoreType.DMA,
    ])
def _sc_scatter(enc_hbm, idx_hbm, idxv, posv, onesv, ssem):
    wid = jax.lax.axis_index("s") * _NC + jax.lax.axis_index("c")
    tok0 = wid * _ROWS_PER_W
    pltpu.sync_copy(idx_hbm.at[pl.ds(tok0, _ROWS_PER_W)], idxv)
    lane = jax.lax.iota(jnp.int32, 16)
    for c in range(8):
        onesv[pl.ds(c * 16, 16)] = jnp.full((16,), 1.0, jnp.float32)
    for k in range(_ROWS_PER_W // 16):
        v = idxv[pl.ds(k * 16, 16)]
        pos = v + (tok0 + k * 16 + lane) * N_EMBED
        posv[k // 8, pl.ds((k % 8) * 16, 16)] = pos
    scats = []
    for r in range(8):
        scats.append(pltpu.async_copy(onesv, enc_hbm.at[posv.at[r]], ssem))
    for s in scats:
        s.wait()


def kernel(z, embedding_weight):
    b, c, dd, h, w = z.shape
    zp = jnp.transpose(z, (0, 2, 3, 4, 1))
    z_flat = zp.reshape(-1, c)
    embt2 = embedding_weight.T * 2.0

    enc_ref = jax.new_ref(jax.lax.empty((_ENC_ELEMS,), jnp.float32))
    zsrc = jnp.zeros((_ZCH,), jnp.float32)
    _sc_zero(enc_ref, zsrc)

    zq_st, idx2, loss2, ppl2 = _vq_call(z_flat, embedding_weight, embt2)

    _sc_scatter(enc_ref, idx2.reshape(N_TOKENS))
    enc = enc_ref[...].reshape(N_TOKENS, N_EMBED)

    z_q_out = jnp.transpose(zq_st.reshape(b, dd, h, w, c), (0, 4, 1, 2, 3))
    encoding_indices = idx2.reshape(N_TOKENS)
    return (z_q_out, loss2[0, 0], ppl2[0, 0], enc, encoding_indices)

# --- scband reference (transcript-rebuilt; emitter-appended) ---
"""Pipeline reference for scband-emavector-quantizer-74423193305765 (READ-ONLY COPY).

The authoritative reference and input builder live on the scoring server;
editing this copy changes nothing except your own understanding.
"""

import jax, jax.numpy as jnp
import numpy as np

N_EMBED = 1024
EMBED_DIM = 64
BETA = 0.25


def setup_inputs(seed: int = 0) -> dict:
    key = jax.random.key(seed)
    k1, k2 = jax.random.split(key)
    z = jax.random.normal(k1, (4, 64, 8, 32, 32), dtype=jnp.float32)
    embedding_weight = jax.random.uniform(
        k2, (N_EMBED, EMBED_DIM), dtype=jnp.float32,
        minval=-1.0 / N_EMBED, maxval=1.0 / N_EMBED)
    return {"z": z, "embedding_weight": embedding_weight}


def reference(z, embedding_weight):
    # eval-mode forward (no EMA buffer update)
    n_e, e_dim = embedding_weight.shape
    # b c d h w -> b d h w c
    zp = jnp.transpose(z, (0, 2, 3, 4, 1))
    z_flat = zp.reshape(-1, e_dim)
    d = (jnp.sum(z_flat ** 2, axis=1, keepdims=True)
         + jnp.sum(embedding_weight ** 2, axis=1)
         - 2.0 * (z_flat @ embedding_weight.T))
    encoding_indices = jnp.argmin(d, axis=1)
    z_q = jnp.take(embedding_weight, encoding_indices, axis=0).reshape(zp.shape)
    encodings = jax.nn.one_hot(encoding_indices, n_e, dtype=zp.dtype)
    avg_probs = jnp.mean(encodings, axis=0)
    perplexity = jnp.exp(-jnp.sum(avg_probs * jnp.log(avg_probs + 1e-10)))
    loss = BETA * jnp.mean((jax.lax.stop_gradient(z_q) - zp) ** 2)
    z_q_st = zp + jax.lax.stop_gradient(z_q - zp)
    z_q_out = jnp.transpose(z_q_st, (0, 4, 1, 2, 3))
    return (z_q_out, loss, perplexity, encodings, encoding_indices)

if __name__ == "__main__":
    import jax
    _d = setup_inputs()
    print(jax.jit(kernel)(*tuple(_d.values())))

</pallas_src>

<mosaic_0001>
#map = affine_map<(d0, d1) -> (0)>
module attributes {stable_mosaic.version = 14 : i64} {
  func.func @new_body(%arg0: i32, %arg1: i32, %arg2: memref<33554432xf32, #tpu.memory_space<hbm>>, %arg3: memref<65536xf32, #tpu.memory_space<hbm>>, %arg4: memref<33554432xf32, #tpu.memory_space<hbm>>, %arg5: memref<65536xf32, #tpu.memory_space<vmem>>, %arg6: memref<!tpu.dma_semaphore, #tpu.memory_space<semaphore_mem>>) attributes {dimension_semantics = [#tpu.dimension_semantics<core_parallel>, #tpu.dimension_semantics<subcore_parallel>], iteration_bounds = array<i64: 2, 16>, scalar_prefetch = 0 : i64, scratch_operands = 2 : i64, tpu.core_type = #tpu.core_type<sc_vector_subcore>, window_params = [{transform_indices = #map}, {transform_indices = #map}, {transform_indices = #map}]} {
    %mul3A = arith.constant 2 : i32
    %mul3A_0 = arith.muli %arg1, %mul3A : i32
    %add3A = arith.addi %mul3A_0, %arg0 : i32
    %mul3A_1 = arith.constant 1024 : i32
    %mul3A_2 = arith.muli %add3A, %mul3A_1 : i32
    %mul3A_3 = arith.constant 1024 : i32
    %mul3A_4 = arith.muli %mul3A_2, %mul3A_3 : i32
    "tpu.region"() ({
      %run_scoped3A = tpu.sem_alloc : memref<!tpu.dma_semaphore, #tpu.memory_space<semaphore_mem>>
      tpu.enqueue_dma source(%arg3 : memref<65536xf32, #tpu.memory_space<hbm>>) target(%arg5 : memref<65536xf32, #tpu.memory_space<vmem>>) target_semaphore(%run_scoped3A : memref<!tpu.dma_semaphore, #tpu.memory_space<semaphore_mem>>)
      tpu.wait_dma2 semaphore(%run_scoped3A : memref<!tpu.dma_semaphore, #tpu.memory_space<semaphore_mem>>) src(%arg3 : memref<65536xf32, #tpu.memory_space<hbm>>) dst(%arg5 : memref<65536xf32, #tpu.memory_space<vmem>>)
      tpu.yield
    }) : () -> ()
    %add3A_5 = arith.constant 0 : i32
    %add3A_6 = arith.addi %mul3A_4, %add3A_5 : i32
    %dma_start3A = tpu.memref_slice %arg2[%add3A_6] : memref<33554432xf32, #tpu.memory_space<hbm>> -> memref<65536xf32, #tpu.memory_space<hbm>>
    %dma_start3A_7 = tpu.memref_slice %arg2[%add3A_6] : memref<33554432xf32, #tpu.memory_space<hbm>> -> memref<65536xf32, #tpu.memory_space<hbm>>
    tpu.enqueue_dma source(%arg5 : memref<65536xf32, #tpu.memory_space<vmem>>) target(%dma_start3A_7 : memref<65536xf32, #tpu.memory_space<hbm>>) target_semaphore(%arg6 : memref<!tpu.dma_semaphore, #tpu.memory_space<semaphore_mem>>)
    %add3A_8 = arith.constant 65536 : i32
    %add3A_9 = arith.addi %mul3A_4, %add3A_8 : i32
    %dma_start3A_10 = tpu.memref_slice %arg2[%add3A_9] : memref<33554432xf32, #tpu.memory_space<hbm>> -> memref<65536xf32, #tpu.memory_space<hbm>>
    %dma_start3A_11 = tpu.memref_slice %arg2[%add3A_9] : memref<33554432xf32, #tpu.memory_space<hbm>> -> memref<65536xf32, #tpu.memory_space<hbm>>
    tpu.enqueue_dma source(%arg5 : memref<65536xf32, #tpu.memory_space<vmem>>) target(%dma_start3A_11 : memref<65536xf32, #tpu.memory_space<hbm>>) target_semaphore(%arg6 : memref<!tpu.dma_semaphore, #tpu.memory_space<semaphore_mem>>)
    %add3A_12 = arith.constant 131072 : i32
    %add3A_13 = arith.addi %mul3A_4, %add3A_12 : i32
    %dma_start3A_14 = tpu.memref_slice %arg2[%add3A_13] : memref<33554432xf32, #tpu.memory_space<hbm>> -> memref<65536xf32, #tpu.memory_space<hbm>>
    %dma_start3A_15 = tpu.memref_slice %arg2[%add3A_13] : memref<33554432xf32, #tpu.memory_space<hbm>> -> memref<65536xf32, #tpu.memory_space<hbm>>
    tpu.enqueue_dma source(%arg5 : memref<65536xf32, #tpu.memory_space<vmem>>) target(%dma_start3A_15 : memref<65536xf32, #tpu.memory_space<hbm>>) target_semaphore(%arg6 : memref<!tpu.dma_semaphore, #tpu.memory_space<semaphore_mem>>)
    %add3A_16 = arith.constant 196608 : i32
    %add3A_17 = arith.addi %mul3A_4, %add3A_16 : i32
    %dma_start3A_18 = tpu.memref_slice %arg2[%add3A_17] : memref<33554432xf32, #tpu.memory_space<hbm>> -> memref<65536xf32, #tpu.memory_space<hbm>>
    %dma_start3A_19 = tpu.memref_slice %arg2[%add3A_17] : memref<33554432xf32, #tpu.memory_space<hbm>> -> memref<65536xf32, #tpu.memory_space<hbm>>
    tpu.enqueue_dma source(%arg5 : memref<65536xf32, #tpu.memory_space<vmem>>) target(%dma_start3A_19 : memref<65536xf32, #tpu.memory_space<hbm>>) target_semaphore(%arg6 : memref<!tpu.dma_semaphore, #tpu.memory_space<semaphore_mem>>)
    %add3A_20 = arith.constant 262144 : i32
    %add3A_21 = arith.addi %mul3A_4, %add3A_20 : i32
    %dma_start3A_22 = tpu.memref_slice %arg2[%add3A_21] : memref<33554432xf32, #tpu.memory_space<hbm>> -> memref<65536xf32, #tpu.memory_space<hbm>>
    %dma_start3A_23 = tpu.memref_slice %arg2[%add3A_21] : memref<33554432xf32, #tpu.memory_space<hbm>> -> memref<65536xf32, #tpu.memory_space<hbm>>
    tpu.enqueue_dma source(%arg5 : memref<65536xf32, #tpu.memory_space<vmem>>) target(%dma_start3A_23 : memref<65536xf32, #tpu.memory_space<hbm>>) target_semaphore(%arg6 : memref<!tpu.dma_semaphore, #tpu.memory_space<semaphore_mem>>)
    %add3A_24 = arith.constant 327680 : i32
    %add3A_25 = arith.addi %mul3A_4, %add3A_24 : i32
    %dma_start3A_26 = tpu.memref_slice %arg2[%add3A_25] : memref<33554432xf32, #tpu.memory_space<hbm>> -> memref<65536xf32, #tpu.memory_space<hbm>>
    %dma_start3A_27 = tpu.memref_slice %arg2[%add3A_25] : memref<33554432xf32, #tpu.memory_space<hbm>> -> memref<65536xf32, #tpu.memory_space<hbm>>
    tpu.enqueue_dma source(%arg5 : memref<65536xf32, #tpu.memory_space<vmem>>) target(%dma_start3A_27 : memref<65536xf32, #tpu.memory_space<hbm>>) target_semaphore(%arg6 : memref<!tpu.dma_semaphore, #tpu.memory_space<semaphore_mem>>)
    %add3A_28 = arith.constant 393216 : i32
    %add3A_29 = arith.addi %mul3A_4, %add3A_28 : i32
    %dma_start3A_30 = tpu.memref_slice %arg2[%add3A_29] : memref<33554432xf32, #tpu.memory_space<hbm>> -> memref<65536xf32, #tpu.memory_space<hbm>>
    %dma_start3A_31 = tpu.memref_slice %arg2[%add3A_29] : memref<33554432xf32, #tpu.memory_space<hbm>> -> memref<65536xf32, #tpu.memory_space<hbm>>
    tpu.enqueue_dma source(%arg5 : memref<65536xf32, #tpu.memory_space<vmem>>) target(%dma_start3A_31 : memref<65536xf32, #tpu.memory_space<hbm>>) target_semaphore(%arg6 : memref<!tpu.dma_semaphore, #tpu.memory_space<semaphore_mem>>)
    %add3A_32 = arith.constant 458752 : i32
    %add3A_33 = arith.addi %mul3A_4, %add3A_32 : i32
    %dma_start3A_34 = tpu.memref_slice %arg2[%add3A_33] : memref<33554432xf32, #tpu.memory_space<hbm>> -> memref<65536xf32, #tpu.memory_space<hbm>>
    %dma_start3A_35 = tpu.memref_slice %arg2[%add3A_33] : memref<33554432xf32, #tpu.memory_space<hbm>> -> memref<65536xf32, #tpu.memory_space<hbm>>
    tpu.enqueue_dma source(%arg5 : memref<65536xf32, #tpu.memory_space<vmem>>) target(%dma_start3A_35 : memref<65536xf32, #tpu.memory_space<hbm>>) target_semaphore(%arg6 : memref<!tpu.dma_semaphore, #tpu.memory_space<semaphore_mem>>)
    %add3A_36 = arith.constant 524288 : i32
    %add3A_37 = arith.addi %mul3A_4, %add3A_36 : i32
    %dma_start3A_38 = tpu.memref_slice %arg2[%add3A_37] : memref<33554432xf32, #tpu.memory_space<hbm>> -> memref<65536xf32, #tpu.memory_space<hbm>>
    %dma_start3A_39 = tpu.memref_slice %arg2[%add3A_37] : memref<33554432xf32, #tpu.memory_space<hbm>> -> memref<65536xf32, #tpu.memory_space<hbm>>
    tpu.enqueue_dma source(%arg5 : memref<65536xf32, #tpu.memory_space<vmem>>) target(%dma_start3A_39 : memref<65536xf32, #tpu.memory_space<hbm>>) target_semaphore(%arg6 : memref<!tpu.dma_semaphore, #tpu.memory_space<semaphore_mem>>)
    %add3A_40 = arith.constant 589824 : i32
    %add3A_41 = arith.addi %mul3A_4, %add3A_40 : i32
    %dma_start3A_42 = tpu.memref_slice %arg2[%add3A_41] : memref<33554432xf32, #tpu.memory_space<hbm>> -> memref<65536xf32, #tpu.memory_space<hbm>>
    %dma_start3A_43 = tpu.memref_slice %arg2[%add3A_41] : memref<33554432xf32, #tpu.memory_space<hbm>> -> memref<65536xf32, #tpu.memory_space<hbm>>
    tpu.enqueue_dma source(%arg5 : memref<65536xf32, #tpu.memory_space<vmem>>) target(%dma_start3A_43 : memref<65536xf32, #tpu.memory_space<hbm>>) target_semaphore(%arg6 : memref<!tpu.dma_semaphore, #tpu.memory_space<semaphore_mem>>)
    %add3A_44 = arith.constant 655360 : i32
    %add3A_45 = arith.addi %mul3A_4, %add3A_44 : i32
    %dma_start3A_46 = tpu.memref_slice %arg2[%add3A_45] : memref<33554432xf32, #tpu.memory_space<hbm>> -> memref<65536xf32, #tpu.memory_space<hbm>>
    %dma_start3A_47 = tpu.memref_slice %arg2[%add3A_45] : memref<33554432xf32, #tpu.memory_space<hbm>> -> memref<65536xf32, #tpu.memory_space<hbm>>
    tpu.enqueue_dma source(%arg5 : memref<65536xf32, #tpu.memory_space<vmem>>) target(%dma_start3A_47 : memref<65536xf32, #tpu.memory_space<hbm>>) target_semaphore(%arg6 : memref<!tpu.dma_semaphore, #tpu.memory_space<semaphore_mem>>)
    %add3A_48 = arith.constant 720896 : i32
    %add3A_49 = arith.addi %mul3A_4, %add3A_48 : i32
    %dma_start3A_50 = tpu.memref_slice %arg2[%add3A_49] : memref<33554432xf32, #tpu.memory_space<hbm>> -> memref<65536xf32, #tpu.memory_space<hbm>>
    %dma_start3A_51 = tpu.memref_slice %arg2[%add3A_49] : memref<33554432xf32, #tpu.memory_space<hbm>> -> memref<65536xf32, #tpu.memory_space<hbm>>
    tpu.enqueue_dma source(%arg5 : memref<65536xf32, #tpu.memory_space<vmem>>) target(%dma_start3A_51 : memref<65536xf32, #tpu.memory_space<hbm>>) target_semaphore(%arg6 : memref<!tpu.dma_semaphore, #tpu.memory_space<semaphore_mem>>)
    %add3A_52 = arith.constant 786432 : i32
    %add3A_53 = arith.addi %mul3A_4, %add3A_52 : i32
    %dma_start3A_54 = tpu.memref_slice %arg2[%add3A_53] : memref<33554432xf32, #tpu.memory_space<hbm>> -> memref<65536xf32, #tpu.memory_space<hbm>>
    %dma_start3A_55 = tpu.memref_slice %arg2[%add3A_53] : memref<33554432xf32, #tpu.memory_space<hbm>> -> memref<65536xf32, #tpu.memory_space<hbm>>
    tpu.enqueue_dma source(%arg5 : memref<65536xf32, #tpu.memory_space<vmem>>) target(%dma_start3A_55 : memref<65536xf32, #tpu.memory_space<hbm>>) target_semaphore(%arg6 : memref<!tpu.dma_semaphore, #tpu.memory_space<semaphore_mem>>)
    %add3A_56 = arith.constant 851968 : i32
    %add3A_57 = arith.addi %mul3A_4, %add3A_56 : i32
    %dma_start3A_58 = tpu.memref_slice %arg2[%add3A_57] : memref<33554432xf32, #tpu.memory_space<hbm>> -> memref<65536xf32, #tpu.memory_space<hbm>>
    %dma_start3A_59 = tpu.memref_slice %arg2[%add3A_57] : memref<33554432xf32, #tpu.memory_space<hbm>> -> memref<65536xf32, #tpu.memory_space<hbm>>
    tpu.enqueue_dma source(%arg5 : memref<65536xf32, #tpu.memory_space<vmem>>) target(%dma_start3A_59 : memref<65536xf32, #tpu.memory_space<hbm>>) target_semaphore(%arg6 : memref<!tpu.dma_semaphore, #tpu.memory_space<semaphore_mem>>)
    %add3A_60 = arith.constant 917504 : i32
    %add3A_61 = arith.addi %mul3A_4, %add3A_60 : i32
    %dma_start3A_62 = tpu.memref_slice %arg2[%add3A_61] : memref<33554432xf32, #tpu.memory_space<hbm>> -> memref<65536xf32, #tpu.memory_space<hbm>>
    %dma_start3A_63 = tpu.memref_slice %arg2[%add3A_61] : memref<33554432xf32, #tpu.memory_space<hbm>> -> memref<65536xf32, #tpu.memory_space<hbm>>
    tpu.enqueue_dma source(%arg5 : memref<65536xf32, #tpu.memory_space<vmem>>) target(%dma_start3A_63 : memref<65536xf32, #tpu.memory_space<hbm>>) target_semaphore(%arg6 : memref<!tpu.dma_semaphore, #tpu.memory_space<semaphore_mem>>)
    %add3A_64 = arith.constant 983040 : i32
    %add3A_65 = arith.addi %mul3A_4, %add3A_64 : i32
    %dma_start3A_66 = tpu.memref_slice %arg2[%add3A_65] : memref<33554432xf32, #tpu.memory_space<hbm>> -> memref<65536xf32, #tpu.memory_space<hbm>>
    %dma_start3A_67 = tpu.memref_slice %arg2[%add3A_65] : memref<33554432xf32, #tpu.memory_space<hbm>> -> memref<65536xf32, #tpu.memory_space<hbm>>
    tpu.enqueue_dma source(%arg5 : memref<65536xf32, #tpu.memory_space<vmem>>) target(%dma_start3A_67 : memref<65536xf32, #tpu.memory_space<hbm>>) target_semaphore(%arg6 : memref<!tpu.dma_semaphore, #tpu.memory_space<semaphore_mem>>)
    %dma_wait3A = tpu.memref_slice %arg2[%add3A_6] : memref<33554432xf32, #tpu.memory_space<hbm>> -> memref<65536xf32, #tpu.memory_space<hbm>>
    %dma_wait3A_68 = tpu.memref_slice %arg2[%add3A_6] : memref<33554432xf32, #tpu.memory_space<hbm>> -> memref<65536xf32, #tpu.memory_space<hbm>>
    tpu.wait_dma2 semaphore(%arg6 : memref<!tpu.dma_semaphore, #tpu.memory_space<semaphore_mem>>) src(%arg5 : memref<65536xf32, #tpu.memory_space<vmem>>) dst(%dma_wait3A_68 : memref<65536xf32, #tpu.memory_space<hbm>>)
    %dma_wait3A_69 = tpu.memref_slice %arg2[%add3A_9] : memref<33554432xf32, #tpu.memory_space<hbm>> -> memref<65536xf32, #tpu.memory_space<hbm>>
    %dma_wait3A_70 = tpu.memref_slice %arg2[%add3A_9] : memref<33554432xf32, #tpu.memory_space<hbm>> -> memref<65536xf32, #tpu.memory_space<hbm>>
    tpu.wait_dma2 semaphore(%arg6 : memref<!tpu.dma_semaphore, #tpu.memory_space<semaphore_mem>>) src(%arg5 : memref<65536xf32, #tpu.memory_space<vmem>>) dst(%dma_wait3A_70 : memref<65536xf32, #tpu.memory_space<hbm>>)
    %dma_wait3A_71 = tpu.memref_slice %arg2[%add3A_13] : memref<33554432xf32, #tpu.memory_space<hbm>> -> memref<65536xf32, #tpu.memory_space<hbm>>
    %dma_wait3A_72 = tpu.memref_slice %arg2[%add3A_13] : memref<33554432xf32, #tpu.memory_space<hbm>> -> memref<65536xf32, #tpu.memory_space<hbm>>
    tpu.wait_dma2 semaphore(%arg6 : memref<!tpu.dma_semaphore, #tpu.memory_space<semaphore_mem>>) src(%arg5 : memref<65536xf32, #tpu.memory_space<vmem>>) dst(%dma_wait3A_72 : memref<65536xf32, #tpu.memory_space<hbm>>)
    %dma_wait3A_73 = tpu.memref_slice %arg2[%add3A_17] : memref<33554432xf32, #tpu.memory_space<hbm>> -> memref<65536xf32, #tpu.memory_space<hbm>>
    %dma_wait3A_74 = tpu.memref_slice %arg2[%add3A_17] : memref<33554432xf32, #tpu.memory_space<hbm>> -> memref<65536xf32, #tpu.memory_space<hbm>>
    tpu.wait_dma2 semaphore(%arg6 : memref<!tpu.dma_semaphore, #tpu.memory_space<semaphore_mem>>) src(%arg5 : memref<65536xf32, #tpu.memory_space<vmem>>) dst(%dma_wait3A_74 : memref<65536xf32, #tpu.memory_space<hbm>>)
    %dma_wait3A_75 = tpu.memref_slice %arg2[%add3A_21] : memref<33554432xf32, #tpu.memory_space<hbm>> -> memref<65536xf32, #tpu.memory_space<hbm>>
    %dma_wait3A_76 = tpu.memref_slice %arg2[%add3A_21] : memref<33554432xf32, #tpu.memory_space<hbm>> -> memref<65536xf32, #tpu.memory_space<hbm>>
    tpu.wait_dma2 semaphore(%arg6 : memref<!tpu.dma_semaphore, #tpu.memory_space<semaphore_mem>>) src(%arg5 : memref<65536xf32, #tpu.memory_space<vmem>>) dst(%dma_wait3A_76 : memref<65536xf32, #tpu.memory_space<hbm>>)
    %dma_wait3A_77 = tpu.memref_slice %arg2[%add3A_25] : memref<33554432xf32, #tpu.memory_space<hbm>> -> memref<65536xf32, #tpu.memory_space<hbm>>
    %dma_wait3A_78 = tpu.memref_slice %arg2[%add3A_25] : memref<33554432xf32, #tpu.memory_space<hbm>> -> memref<65536xf32, #tpu.memory_space<hbm>>
    tpu.wait_dma2 semaphore(%arg6 : memref<!tpu.dma_semaphore, #tpu.memory_space<semaphore_mem>>) src(%arg5 : memref<65536xf32, #tpu.memory_space<vmem>>) dst(%dma_wait3A_78 : memref<65536xf32, #tpu.memory_space<hbm>>)
    %dma_wait3A_79 = tpu.memref_slice %arg2[%add3A_29] : memref<33554432xf32, #tpu.memory_space<hbm>> -> memref<65536xf32, #tpu.memory_space<hbm>>
    %dma_wait3A_80 = tpu.memref_slice %arg2[%add3A_29] : memref<33554432xf32, #tpu.memory_space<hbm>> -> memref<65536xf32, #tpu.memory_space<hbm>>
    tpu.wait_dma2 semaphore(%arg6 : memref<!tpu.dma_semaphore, #tpu.memory_space<semaphore_mem>>) src(%arg5 : memref<65536xf32, #tpu.memory_space<vmem>>) dst(%dma_wait3A_80 : memref<65536xf32, #tpu.memory_space<hbm>>)
    %dma_wait3A_81 = tpu.memref_slice %arg2[%add3A_33] : memref<33554432xf32, #tpu.memory_space<hbm>> -> memref<65536xf32, #tpu.memory_space<hbm>>
    %dma_wait3A_82 = tpu.memref_slice %arg2[%add3A_33] : memref<33554432xf32, #tpu.memory_space<hbm>> -> memref<65536xf32, #tpu.memory_space<hbm>>
    tpu.wait_dma2 semaphore(%arg6 : memref<!tpu.dma_semaphore, #tpu.memory_space<semaphore_mem>>) src(%arg5 : memref<65536xf32, #tpu.memory_space<vmem>>) dst(%dma_wait3A_82 : memref<65536xf32, #tpu.memory_space<hbm>>)
    %dma_wait3A_83 = tpu.memref_slice %arg2[%add3A_37] : memref<33554432xf32, #tpu.memory_space<hbm>> -> memref<65536xf32, #tpu.memory_space<hbm>>
    %dma_wait3A_84 = tpu.memref_slice %arg2[%add3A_37] : memref<33554432xf32, #tpu.memory_space<hbm>> -> memref<65536xf32, #tpu.memory_space<hbm>>
    tpu.wait_dma2 semaphore(%arg6 : memref<!tpu.dma_semaphore, #tpu.memory_space<semaphore_mem>>) src(%arg5 : memref<65536xf32, #tpu.memory_space<vmem>>) dst(%dma_wait3A_84 : memref<65536xf32, #tpu.memory_space<hbm>>)
    %dma_wait3A_85 = tpu.memref_slice %arg2[%add3A_41] : memref<33554432xf32, #tpu.memory_space<hbm>> -> memref<65536xf32, #tpu.memory_space<hbm>>
    %dma_wait3A_86 = tpu.memref_slice %arg2[%add3A_41] : memref<33554432xf32, #tpu.memory_space<hbm>> -> memref<65536xf32, #tpu.memory_space<hbm>>
    tpu.wait_dma2 semaphore(%arg6 : memref<!tpu.dma_semaphore, #tpu.memory_space<semaphore_mem>>) src(%arg5 : memref<65536xf32, #tpu.memory_space<vmem>>) dst(%dma_wait3A_86 : memref<65536xf32, #tpu.memory_space<hbm>>)
    %dma_wait3A_87 = tpu.memref_slice %arg2[%add3A_45] : memref<33554432xf32, #tpu.memory_space<hbm>> -> memref<65536xf32, #tpu.memory_space<hbm>>
    %dma_wait3A_88 = tpu.memref_slice %arg2[%add3A_45] : memref<33554432xf32, #tpu.memory_space<hbm>> -> memref<65536xf32, #tpu.memory_space<hbm>>
    tpu.wait_dma2 semaphore(%arg6 : memref<!tpu.dma_semaphore, #tpu.memory_space<semaphore_mem>>) src(%arg5 : memref<65536xf32, #tpu.memory_space<vmem>>) dst(%dma_wait3A_88 : memref<65536xf32, #tpu.memory_space<hbm>>)
    %dma_wait3A_89 = tpu.memref_slice %arg2[%add3A_49] : memref<33554432xf32, #tpu.memory_space<hbm>> -> memref<65536xf32, #tpu.memory_space<hbm>>
    %dma_wait3A_90 = tpu.memref_slice %arg2[%add3A_49] : memref<33554432xf32, #tpu.memory_space<hbm>> -> memref<65536xf32, #tpu.memory_space<hbm>>
    tpu.wait_dma2 semaphore(%arg6 : memref<!tpu.dma_semaphore, #tpu.memory_space<semaphore_mem>>) src(%arg5 : memref<65536xf32, #tpu.memory_space<vmem>>) dst(%dma_wait3A_90 : memref<65536xf32, #tpu.memory_space<hbm>>)
    %dma_wait3A_91 = tpu.memref_slice %arg2[%add3A_53] : memref<33554432xf32, #tpu.memory_space<hbm>> -> memref<65536xf32, #tpu.memory_space<hbm>>
    %dma_wait3A_92 = tpu.memref_slice %arg2[%add3A_53] : memref<33554432xf32, #tpu.memory_space<hbm>> -> memref<65536xf32, #tpu.memory_space<hbm>>
    tpu.wait_dma2 semaphore(%arg6 : memref<!tpu.dma_semaphore, #tpu.memory_space<semaphore_mem>>) src(%arg5 : memref<65536xf32, #tpu.memory_space<vmem>>) dst(%dma_wait3A_92 : memref<65536xf32, #tpu.memory_space<hbm>>)
    %dma_wait3A_93 = tpu.memref_slice %arg2[%add3A_57] : memref<33554432xf32, #tpu.memory_space<hbm>> -> memref<65536xf32, #tpu.memory_space<hbm>>
    %dma_wait3A_94 = tpu.memref_slice %arg2[%add3A_57] : memref<33554432xf32, #tpu.memory_space<hbm>> -> memref<65536xf32, #tpu.memory_space<hbm>>
    tpu.wait_dma2 semaphore(%arg6 : memref<!tpu.dma_semaphore, #tpu.memory_space<semaphore_mem>>) src(%arg5 : memref<65536xf32, #tpu.memory_space<vmem>>) dst(%dma_wait3A_94 : memref<65536xf32, #tpu.memory_space<hbm>>)
    %dma_wait3A_95 = tpu.memref_slice %arg2[%add3A_61] : memref<33554432xf32, #tpu.memory_space<hbm>> -> memref<65536xf32, #tpu.memory_space<hbm>>
    %dma_wait3A_96 = tpu.memref_slice %arg2[%add3A_61] : memref<33554432xf32, #tpu.memory_space<hbm>> -> memref<65536xf32, #tpu.memory_space<hbm>>
    tpu.wait_dma2 semaphore(%arg6 : memref<!tpu.dma_semaphore, #tpu.memory_space<semaphore_mem>>) src(%arg5 : memref<65536xf32, #tpu.memory_space<vmem>>) dst(%dma_wait3A_96 : memref<65536xf32, #tpu.memory_space<hbm>>)
    %dma_wait3A_97 = tpu.memref_slice %arg2[%add3A_65] : memref<33554432xf32, #tpu.memory_space<hbm>> -> memref<65536xf32, #tpu.memory_space<hbm>>
    %dma_wait3A_98 = tpu.memref_slice %arg2[%add3A_65] : memref<33554432xf32, #tpu.memory_space<hbm>> -> memref<65536xf32, #tpu.memory_space<hbm>>
    tpu.wait_dma2 semaphore(%arg6 : memref<!tpu.dma_semaphore, #tpu.memory_space<semaphore_mem>>) src(%arg5 : memref<65536xf32, #tpu.memory_space<vmem>>) dst(%dma_wait3A_98 : memref<65536xf32, #tpu.memory_space<hbm>>)
    return
  }
}

#map = affine_map<(d0, d1) -> (0)>
module attributes {stable_mosaic.version = 14 : i64} {
  func.func @new_body(%arg0: i32, %arg1: i32, %arg2: memref<33554432xf32, #tpu.memory_space<hbm>>, %arg3: memref<32768xi32, #tpu.memory_space<hbm>>, %arg4: memref<33554432xf32, #tpu.memory_space<hbm>>, %arg5: memref<1024xi32, #tpu.memory_space<vmem>>, %arg6: memref<8x128xi32, #tpu.memory_space<vmem>>, %arg7: memref<128xf32, #tpu.memory_space<vmem>>, %arg8: memref<!tpu.dma_semaphore, #tpu.memory_space<semaphore_mem>>) attributes {dimension_semantics = [#tpu.dimension_semantics<core_parallel>, #tpu.dimension_semantics<subcore_parallel>], iteration_bounds = array<i64: 2, 16>, scalar_prefetch = 0 : i64, scratch_operands = 4 : i64, tpu.core_type = #tpu.core_type<sc_vector_subcore>, window_params = [{transform_indices = #map}, {transform_indices = #map}, {transform_indices = #map}]} {
    %mul3A = arith.constant 2 : i32
    %mul3A_0 = arith.muli %arg1, %mul3A : i32
    %add3A = arith.addi %mul3A_0, %arg0 : i32
    %mul3A_1 = arith.constant 1024 : i32
    %mul3A_2 = arith.muli %add3A, %mul3A_1 : i32
    "tpu.region"() ({
      %run_scoped3A = tpu.sem_alloc : memref<!tpu.dma_semaphore, #tpu.memory_space<semaphore_mem>>
      %dma_start3A_1230 = tpu.memref_slice %arg3[%mul3A_2] : memref<32768xi32, #tpu.memory_space<hbm>> -> memref<1024xi32, #tpu.memory_space<hbm>>
      %dma_start3A_1231 = tpu.memref_slice %arg3[%mul3A_2] : memref<32768xi32, #tpu.memory_space<hbm>> -> memref<1024xi32, #tpu.memory_space<hbm>>
      tpu.enqueue_dma source(%dma_start3A_1231 : memref<1024xi32, #tpu.memory_space<hbm>>) target(%arg5 : memref<1024xi32, #tpu.memory_space<vmem>>) target_semaphore(%run_scoped3A : memref<!tpu.dma_semaphore, #tpu.memory_space<semaphore_mem>>)
      %dma_wait3A_1232 = tpu.memref_slice %arg3[%mul3A_2] : memref<32768xi32, #tpu.memory_space<hbm>> -> memref<1024xi32, #tpu.memory_space<hbm>>
      %dma_wait3A_1233 = tpu.memref_slice %arg3[%mul3A_2] : memref<32768xi32, #tpu.memory_space<hbm>> -> memref<1024xi32, #tpu.memory_space<hbm>>
      tpu.wait_dma2 semaphore(%run_scoped3A : memref<!tpu.dma_semaphore, #tpu.memory_space<semaphore_mem>>) src(%dma_wait3A_1233 : memref<1024xi32, #tpu.memory_space<hbm>>) dst(%arg5 : memref<1024xi32, #tpu.memory_space<vmem>>)
      tpu.yield
    }) : () -> ()
    %iota3A = tpu.iota {dimensions = array<i32: 0>} : vector<16xi32>
    %broadcast_in_dim3A = arith.constant 1.000000e+00 : f32
    %broadcast_in_dim3A_3 = vector.broadcast %broadcast_in_dim3A : f32 to vector<16xf32>
    %swap3A = arith.constant 0 : index
    %swap3A_4 = tpu.vector_load %arg7[%swap3A] {strides = array<i32>} : memref<128xf32, #tpu.memory_space<vmem>>, vector<16xf32>,
    %swap3A_5 = vector.shape_cast %swap3A_4 : vector<16xf32> to vector<16xf32>
    %swap3A_6 = vector.shape_cast %broadcast_in_dim3A_3 : vector<16xf32> to vector<16xf32>
    tpu.vector_store %arg7[%swap3A], %swap3A_6 {strides = array<i32>} : memref<128xf32, #tpu.memory_space<vmem>>, vector<16xf32>,
    %broadcast_in_dim3A_7 = arith.constant 1.000000e+00 : f32
    %broadcast_in_dim3A_8 = vector.broadcast %broadcast_in_dim3A_7 : f32 to vector<16xf32>
    %swap3A_9 = arith.constant 16 : index
    %swap3A_10 = tpu.vector_load %arg7[%swap3A_9] {strides = array<i32>} : memref<128xf32, #tpu.memory_space<vmem>>, vector<16xf32>,
    %swap3A_11 = vector.shape_cast %swap3A_10 : vector<16xf32> to vector<16xf32>
    %swap3A_12 = vector.shape_cast %broadcast_in_dim3A_8 : vector<16xf32> to vector<16xf32>
    tpu.vector_store %arg7[%swap3A_9], %swap3A_12 {strides = array<i32>} : memref<128xf32, #tpu.memory_space<vmem>>, vector<16xf32>,
    %broadcast_in_dim3A_13 = arith.constant 1.000000e+00 : f32
    %broadcast_in_dim3A_14 = vector.broadcast %broadcast_in_dim3A_13 : f32 to vector<16xf32>
    %swap3A_15 = arith.constant 32 : index
    %swap3A_16 = tpu.vector_load %arg7[%swap3A_15] {strides = array<i32>} : memref<128xf32, #tpu.memory_space<vmem>>, vector<16xf32>,
    %swap3A_17 = vector.shape_cast %swap3A_16 : vector<16xf32> to vector<16xf32>
    %swap3A_18 = vector.shape_cast %broadcast_in_dim3A_14 : vector<16xf32> to vector<16xf32>
    tpu.vector_store %arg7[%swap3A_15], %swap3A_18 {strides = array<i32>} : memref<128xf32, #tpu.memory_space<vmem>>, vector<16xf32>,
    %broadcast_in_dim3A_19 = arith.constant 1.000000e+00 : f32
    %broadcast_in_dim3A_20 = vector.broadcast %broadcast_in_dim3A_19 : f32 to vector<16xf32>
    %swap3A_21 = arith.constant 48 : index
    %swap3A_22 = tpu.vector_load %arg7[%swap3A_21] {strides = array<i32>} : memref<128xf32, #tpu.memory_space<vmem>>, vector<16xf32>,
    %swap3A_23 = vector.shape_cast %swap3A_22 : vector<16xf32> to vector<16xf32>
    %swap3A_24 = vector.shape_cast %broadcast_in_dim3A_20 : vector<16xf32> to vector<16xf32>
    tpu.vector_store %arg7[%swap3A_21], %swap3A_24 {strides = array<i32>} : memref<128xf32, #tpu.memory_space<vmem>>, vector<16xf32>,
    %broadcast_in_dim3A_25 = arith.constant 1.000000e+00 : f32
    %broadcast_in_dim3A_26 = vector.broadcast %broadcast_in_dim3A_25 : f32 to vector<16xf32>
    %swap3A_27 = arith.constant 64 : index
    %swap3A_28 = tpu.vector_load %arg7[%swap3A_27] {strides = array<i32>} : memref<128xf32, #tpu.memory_space<vmem>>, vector<16xf32>,
    %swap3A_29 = vector.shape_cast %swap3A_28 : vector<16xf32> to vector<16xf32>
    %swap3A_30 = vector.shape_cast %broadcast_in_dim3A_26 : vector<16xf32> to vector<16xf32>
    tpu.vector_store %arg7[%swap3A_27], %swap3A_30 {strides = array<i32>} : memref<128xf32, #tpu.memory_space<vmem>>, vector<16xf32>,
    %broadcast_in_dim3A_31 = arith.constant 1.000000e+00 : f32
    %broadcast_in_dim3A_32 = vector.broadcast %broadcast_in_dim3A_31 : f32 to vector<16xf32>
    %swap3A_33 = arith.constant 80 : index
    %swap3A_34 = tpu.vector_load %arg7[%swap3A_33] {strides = array<i32>} : memref<128xf32, #tpu.memory_space<vmem>>, vector<16xf32>,
    %swap3A_35 = vector.shape_cast %swap3A_34 : vector<16xf32> to vector<16xf32>
    %swap3A_36 = vector.shape_cast %broadcast_in_dim3A_32 : vector<16xf32> to vector<16xf32>
    tpu.vector_store %arg7[%swap3A_33], %swap3A_36 {strides = array<i32>} : memref<128xf32, #tpu.memory_space<vmem>>, vector<16xf32>,
    %broadcast_in_dim3A_37 = arith.constant 1.000000e+00 : f32
    %broadcast_in_dim3A_38 = vector.broadcast %broadcast_in_dim3A_37 : f32 to vector<16xf32>
    %swap3A_39 = arith.constant 96 : index
    %swap3A_40 = tpu.vector_load %arg7[%swap3A_39] {strides = array<i32>} : memref<128xf32, #tpu.memory_space<vmem>>, vector<16xf32>,
    %swap3A_41 = vector.shape_cast %swap3A_40 : vector<16xf32> to vector<16xf32>
    %swap3A_42 = vector.shape_cast %broadcast_in_dim3A_38 : vector<16xf32> to vector<16xf32>
    tpu.vector_store %arg7[%swap3A_39], %swap3A_42 {strides = array<i32>} : memref<128xf32, #tpu.memory_space<vmem>>, vector<16xf32>,
    %broadcast_in_dim3A_43 = arith.constant 1.000000e+00 : f32
    %broadcast_in_dim3A_44 = vector.broadcast %broadcast_in_dim3A_43 : f32 to vector<16xf32>
    %swap3A_45 = arith.constant 112 : index
    %swap3A_46 = tpu.vector_load %arg7[%swap3A_45] {strides = array<i32>} : memref<128xf32, #tpu.memory_space<vmem>>, vector<16xf32>,
    %swap3A_47 = vector.shape_cast %swap3A_46 : vector<16xf32> to vector<16xf32>
    %swap3A_48 = vector.shape_cast %broadcast_in_dim3A_44 : vector<16xf32> to vector<16xf32>
    tpu.vector_store %arg7[%swap3A_45], %swap3A_48 {strides = array<i32>} : memref<128xf32, #tpu.memory_space<vmem>>, vector<16xf32>,
    %get3A = arith.constant 0 : index
    %get3A_49 = tpu.vector_load %arg5[%get3A] {strides = array<i32>} : memref<1024xi32, #tpu.memory_space<vmem>>, vector<16xi32>,
    %get3A_50 = vector.shape_cast %get3A_49 : vector<16xi32> to vector<16xi32>
    %add3A_51 = arith.constant 0 : i32
    %add3A_52 = arith.addi %mul3A_2, %add3A_51 : i32
    %add3A_53 = vector.broadcast %add3A_52 : i32 to vector<16xi32>
    %add3A_54 = arith.addi %add3A_53, %iota3A : vector<16xi32>
    %mul3A_55 = arith.constant 1024 : i32
    %mul3A_56 = vector.broadcast %mul3A_55 : i32 to vector<16xi32>
    %mul3A_57 = arith.muli %add3A_54, %mul3A_56 : vector<16xi32>
    %add3A_58 = arith.addi %get3A_50, %mul3A_57 : vector<16xi32>
    %swap3A_59 = arith.constant 0 : i32
    %swap3A_60 = arith.index_cast %swap3A_59 : i32 to index
    %swap3A_61 = arith.constant 0 : index
    %swap3A_62 = tpu.vector_load %arg6[%swap3A_60, %swap3A_61] {strides = array<i32>} : memref<8x128xi32, #tpu.memory_space<vmem>>, vector<1x16xi32>,
    %swap3A_63 = vector.shape_cast %swap3A_62 : vector<1x16xi32> to vector<16xi32>
    %swap3A_64 = vector.shape_cast %add3A_58 : vector<16xi32> to vector<1x16xi32>
    tpu.vector_store %arg6[%swap3A_60, %swap3A_61], %swap3A_64 {strides = array<i32>} : memref<8x128xi32, #tpu.memory_space<vmem>>, vector<1x16xi32>,
    %get3A_65 = arith.constant 16 : index
    %get3A_66 = tpu.vector_load %arg5[%get3A_65] {strides = array<i32>} : memref<1024xi32, #tpu.memory_space<vmem>>, vector<16xi32>,
    %get3A_67 = vector.shape_cast %get3A_66 : vector<16xi32> to vector<16xi32>
    %add3A_68 = arith.constant 16 : i32
    %add3A_69 = arith.addi %mul3A_2, %add3A_68 : i32
    %add3A_70 = vector.broadcast %add3A_69 : i32 to vector<16xi32>
    %add3A_71 = arith.addi %add3A_70, %iota3A : vector<16xi32>
    %mul3A_72 = arith.constant 1024 : i32
    %mul3A_73 = vector.broadcast %mul3A_72 : i32 to vector<16xi32>
    %mul3A_74 = arith.muli %add3A_71, %mul3A_73 : vector<16xi32>
    %add3A_75 = arith.addi %get3A_67, %mul3A_74 : vector<16xi32>
    %swap3A_76 = arith.constant 0 : i32
    %swap3A_77 = arith.index_cast %swap3A_76 : i32 to index
    %swap3A_78 = arith.constant 16 : index
    %swap3A_79 = tpu.vector_load %arg6[%swap3A_77, %swap3A_78] {strides = array<i32>} : memref<8x128xi32, #tpu.memory_space<vmem>>, vector<1x16xi32>,
    %swap3A_80 = vector.shape_cast %swap3A_79 : vector<1x16xi32> to vector<16xi32>
    %swap3A_81 = vector.shape_cast %add3A_75 : vector<16xi32> to vector<1x16xi32>
    tpu.vector_store %arg6[%swap3A_77, %swap3A_78], %swap3A_81 {strides = array<i32>} : memref<8x128xi32, #tpu.memory_space<vmem>>, vector<1x16xi32>,
    %get3A_82 = arith.constant 32 : index
    %get3A_83 = tpu.vector_load %arg5[%get3A_82] {strides = array<i32>} : memref<1024xi32, #tpu.memory_space<vmem>>, vector<16xi32>,
    %get3A_84 = vector.shape_cast %get3A_83 : vector<16xi32> to vector<16xi32>
    %add3A_85 = arith.constant 32 : i32
    %add3A_86 = arith.addi %mul3A_2, %add3A_85 : i32
    %add3A_87 = vector.broadcast %add3A_86 : i32 to vector<16xi32>
    %add3A_88 = arith.addi %add3A_87, %iota3A : vector<16xi32>
    %mul3A_89 = arith.constant 1024 : i32
    %mul3A_90 = vector.broadcast %mul3A_89 : i32 to vector<16xi32>
    %mul3A_91 = arith.muli %add3A_88, %mul3A_90 : vector<16xi32>
    %add3A_92 = arith.addi %get3A_84, %mul3A_91 : vector<16xi32>
    %swap3A_93 = arith.constant 0 : i32
    %swap3A_94 = arith.index_cast %swap3A_93 : i32 to index
    %swap3A_95 = arith.constant 32 : index
    %swap3A_96 = tpu.vector_load %arg6[%swap3A_94, %swap3A_95] {strides = array<i32>} : memref<8x128xi32, #tpu.memory_space<vmem>>, vector<1x16xi32>,
    %swap3A_97 = vector.shape_cast %swap3A_96 : vector<1x16xi32> to vector<16xi32>
    %swap3A_98 = vector.shape_cast %add3A_92 : vector<16xi32> to vector<1x16xi32>
    tpu.vector_store %arg6[%swap3A_94, %swap3A_95], %swap3A_98 {strides = array<i32>} : memref<8x128xi32, #tpu.memory_space<vmem>>, vector<1x16xi32>,
    %get3A_99 = arith.constant 48 : index
    %get3A_100 = tpu.vector_load %arg5[%get3A_99] {strides = array<i32>} : memref<1024xi32, #tpu.memory_space<vmem>>, vector<16xi32>,
    %get3A_101 = vector.shape_cast %get3A_100 : vector<16xi32> to vector<16xi32>
    %add3A_102 = arith.constant 48 : i32
    %add3A_103 = arith.addi %mul3A_2, %add3A_102 : i32
    %add3A_104 = vector.broadcast %add3A_103 : i32 to vector<16xi32>
    %add3A_105 = arith.addi %add3A_104, %iota3A : vector<16xi32>
    %mul3A_106 = arith.constant 1024 : i32
    %mul3A_107 = vector.broadcast %mul3A_106 : i32 to vector<16xi32>
    %mul3A_108 = arith.muli %add3A_105, %mul3A_107 : vector<16xi32>
    %add3A_109 = arith.addi %get3A_101, %mul3A_108 : vector<16xi32>
    %swap3A_110 = arith.constant 0 : i32
    %swap3A_111 = arith.index_cast %swap3A_110 : i32 to index
    %swap3A_112 = arith.constant 48 : index
    %swap3A_113 = tpu.vector_load %arg6[%swap3A_111, %swap3A_112] {strides = array<i32>} : memref<8x128xi32, #tpu.memory_space<vmem>>, vector<1x16xi32>,
    %swap3A_114 = vector.shape_cast %swap3A_113 : vector<1x16xi32> to vector<16xi32>
    %swap3A_115 = vector.shape_cast %add3A_109 : vector<16xi32> to vector<1x16xi32>
    tpu.vector_store %arg6[%swap3A_111, %swap3A_112], %swap3A_115 {strides = array<i32>} : memref<8x128xi32, #tpu.memory_space<vmem>>, vector<1x16xi32>,
    %get3A_116 = arith.constant 64 : index
    %get3A_117 = tpu.vector_load %arg5[%get3A_116] {strides = array<i32>} : memref<1024xi32, #tpu.memory_space<vmem>>, vector<16xi32>,
    %get3A_118 = vector.shape_cast %get3A_117 : vector<16xi32> to vector<16xi32>
    %add3A_119 = arith.constant 64 : i32
    %add3A_120 = arith.addi %mul3A_2, %add3A_119 : i32
    %add3A_121 = vector.broadcast %add3A_120 : i32 to vector<16xi32>
    %add3A_122 = arith.addi %add3A_121, %iota3A : vector<16xi32>
    %mul3A_123 = arith.constant 1024 : i32
    %mul3A_124 = vector.broadcast %mul3A_123 : i32 to vector<16xi32>
    %mul3A_125 = arith.muli %add3A_122, %mul3A_124 : vector<16xi32>
    %add3A_126 = arith.addi %get3A_118, %mul3A_125 : vector<16xi32>
    %swap3A_127 = arith.constant 0 : i32
    %swap3A_128 = arith.index_cast %swap3A_127 : i32 to index
    %swap3A_129 = arith.constant 64 : index
    %swap3A_130 = tpu.vector_load %arg6[%swap3A_128, %swap3A_129] {strides = array<i32>} : memref<8x128xi32, #tpu.memory_space<vmem>>, vector<1x16xi32>,
    %swap3A_131 = vector.shape_cast %swap3A_130 : vector<1x16xi32> to vector<16xi32>
    %swap3A_132 = vector.shape_cast %add3A_126 : vector<16xi32> to vector<1x16xi32>
    tpu.vector_store %arg6[%swap3A_128, %swap3A_129], %swap3A_132 {strides = array<i32>} : memref<8x128xi32, #tpu.memory_space<vmem>>, vector<1x16xi32>,
    %get3A_133 = arith.constant 80 : index
    %get3A_134 = tpu.vector_load %arg5[%get3A_133] {strides = array<i32>} : memref<1024xi32, #tpu.memory_space<vmem>>, vector<16xi32>,
    %get3A_135 = vector.shape_cast %get3A_134 : vector<16xi32> to vector<16xi32>
    %add3A_136 = arith.constant 80 : i32
    %add3A_137 = arith.addi %mul3A_2, %add3A_136 : i32
    %add3A_138 = vector.broadcast %add3A_137 : i32 to vector<16xi32>
    %add3A_139 = arith.addi %add3A_138, %iota3A : vector<16xi32>
    %mul3A_140 = arith.constant 1024 : i32
    %mul3A_141 = vector.broadcast %mul3A_140 : i32 to vector<16xi32>
    %mul3A_142 = arith.muli %add3A_139, %mul3A_141 : vector<16xi32>
    %add3A_143 = arith.addi %get3A_135, %mul3A_142 : vector<16xi32>
    %swap3A_144 = arith.constant 0 : i32
    %swap3A_145 = arith.index_cast %swap3A_144 : i32 to index
    %swap3A_146 = arith.constant 80 : index
    %swap3A_147 = tpu.vector_load %arg6[%swap3A_145, %swap3A_146] {strides = array<i32>} : memref<8x128xi32, #tpu.memory_space<vmem>>, vector<1x16xi32>,
    %swap3A_148 = vector.shape_cast %swap3A_147 : vector<1x16xi32> to vector<16xi32>
    %swap3A_149 = vector.shape_cast %add3A_143 : vector<16xi32> to vector<1x16xi32>
    tpu.vector_store %arg6[%swap3A_145, %swap3A_146], %swap3A_149 {strides = array<i32>} : memref<8x128xi32, #tpu.memory_space<vmem>>, vector<1x16xi32>,
    %get3A_150 = arith.constant 96 : index
    %get3A_151 = tpu.vector_load %arg5[%get3A_150] {strides = array<i32>} : memref<1024xi32, #tpu.memory_space<vmem>>, vector<16xi32>,
    %get3A_152 = vector.shape_cast %get3A_151 : vector<16xi32> to vector<16xi32>
    %add3A_153 = arith.constant 96 : i32
    %add3A_154 = arith.addi %mul3A_2, %add3A_153 : i32
    %add3A_155 = vector.broadcast %add3A_154 : i32 to vector<16xi32>
    %add3A_156 = arith.addi %add3A_155, %iota3A : vector<16xi32>
    %mul3A_157 = arith.constant 1024 : i32
    %mul3A_158 = vector.broadcast %mul3A_157 : i32 to vector<16xi32>
    %mul3A_159 = arith.muli %add3A_156, %mul3A_158 : vector<16xi32>
    %add3A_160 = arith.addi %get3A_152, %mul3A_159 : vector<16xi32>
    %swap3A_161 = arith.constant 0 : i32
    %swap3A_162 = arith.index_cast %swap3A_161 : i32 to index
    %swap3A_163 = arith.constant 96 : index
    %swap3A_164 = tpu.vector_load %arg6[%swap3A_162, %swap3A_163] {strides = array<i32>} : memref<8x128xi32, #tpu.memory_space<vmem>>, vector<1x16xi32>,
    %swap3A_165 = vector.shape_cast %swap3A_164 : vector<1x16xi32> to vector<16xi32>
    %swap3A_166 = vector.shape_cast %add3A_160 : vector<16xi32> to vector<1x16xi32>
    tpu.vector_store %arg6[%swap3A_162, %swap3A_163], %swap3A_166 {strides = array<i32>} : memref<8x128xi32, #tpu.memory_space<vmem>>, vector<1x16xi32>,
    %get3A_167 = arith.constant 112 : index
    %get3A_168 = tpu.vector_load %arg5[%get3A_167] {strides = array<i32>} : memref<1024xi32, #tpu.memory_space<vmem>>, vector<16xi32>,
    %get3A_169 = vector.shape_cast %get3A_168 : vector<16xi32> to vector<16xi32>
    %add3A_170 = arith.constant 112 : i32
    %add3A_171 = arith.addi %mul3A_2, %add3A_170 : i32
    %add3A_172 = vector.broadcast %add3A_171 : i32 to vector<16xi32>
    %add3A_173 = arith.addi %add3A_172, %iota3A : vector<16xi32>
    %mul3A_174 = arith.constant 1024 : i32
    %mul3A_175 = vector.broadcast %mul3A_174 : i32 to vector<16xi32>
    %mul3A_176 = arith.muli %add3A_173, %mul3A_175 : vector<16xi32>
    %add3A_177 = arith.addi %get3A_169, %mul3A_176 : vector<16xi32>
    %swap3A_178 = arith.constant 0 : i32
    %swap3A_179 = arith.index_cast %swap3A_178 : i32 to index
    %swap3A_180 = arith.constant 112 : index
    %swap3A_181 = tpu.vector_load %arg6[%swap3A_179, %swap3A_180] {strides = array<i32>} : memref<8x128xi32, #tpu.memory_space<vmem>>, vector<1x16xi32>,
    %swap3A_182 = vector.shape_cast %swap3A_181 : vector<1x16xi32> to vector<16xi32>
    %swap3A_183 = vector.shape_cast %add3A_177 : vector<16xi32> to vector<1x16xi32>
    tpu.vector_store %arg6[%swap3A_179, %swap3A_180], %swap3A_183 {strides = array<i32>} : memref<8x128xi32, #tpu.memory_space<vmem>>, vector<1x16xi32>,
    %get3A_184 = arith.constant 128 : index
    %get3A_185 = tpu.vector_load %arg5[%get3A_184] {strides = array<i32>} : memref<1024xi32, #tpu.memory_space<vmem>>, vector<16xi32>,
    %get3A_186 = vector.shape_cast %get3A_185 : vector<16xi32> to vector<16xi32>
    %add3A_187 = arith.constant 128 : i32
    %add3A_188 = arith.addi %mul3A_2, %add3A_187 : i32
    %add3A_189 = vector.broadcast %add3A_188 : i32 to vector<16xi32>
    %add3A_190 = arith.addi %add3A_189, %iota3A : vector<16xi32>
    %mul3A_191 = arith.constant 1024 : i32
    %mul3A_192 = vector.broadcast %mul3A_191 : i32 to vector<16xi32>
    %mul3A_193 = arith.muli %add3A_190, %mul3A_192 : vector<16xi32>
    %add3A_194 = arith.addi %get3A_186, %mul3A_193 : vector<16xi32>
    %swap3A_195 = arith.constant 1 : i32
    %swap3A_196 = arith.index_cast %swap3A_195 : i32 to index
    %swap3A_197 = arith.constant 0 : index
    %swap3A_198 = tpu.vector_load %arg6[%swap3A_196, %swap3A_197] {strides = array<i32>} : memref<8x128xi32, #tpu.memory_space<vmem>>, vector<1x16xi32>,
    %swap3A_199 = vector.shape_cast %swap3A_198 : vector<1x16xi32> to vector<16xi32>
    %swap3A_200 = vector.shape_cast %add3A_194 : vector<16xi32> to vector<1x16xi32>
    tpu.vector_store %arg6[%swap3A_196, %swap3A_197], %swap3A_200 {strides = array<i32>} : memref<8x128xi32, #tpu.memory_space<vmem>>, vector<1x16xi32>,
    %get3A_201 = arith.constant 144 : index
    %get3A_202 = tpu.vector_load %arg5[%get3A_201] {strides = array<i32>} : memref<1024xi32, #tpu.memory_space<vmem>>, vector<16xi32>,
    %get3A_203 = vector.shape_cast %get3A_202 : vector<16xi32> to vector<16xi32>
    %add3A_204 = arith.constant 144 : i32
    %add3A_205 = arith.addi %mul3A_2, %add3A_204 : i32
    %add3A_206 = vector.broadcast %add3A_205 : i32 to vector<16xi32>
    %add3A_207 = arith.addi %add3A_206, %iota3A : vector<16xi32>
    %mul3A_208 = arith.constant 1024 : i32
    %mul3A_209 = vector.broadcast %mul3A_208 : i32 to vector<16xi32>
    %mul3A_210 = arith.muli %add3A_207, %mul3A_209 : vector<16xi32>
    %add3A_211 = arith.addi %get3A_203, %mul3A_210 : vector<16xi32>
    %swap3A_212 = arith.constant 1 : i32
    %swap3A_213 = arith.index_cast %swap3A_212 : i32 to index
    %swap3A_214 = arith.constant 16 : index
    %swap3A_215 = tpu.vector_load %arg6[%swap3A_213, %swap3A_214] {strides = array<i32>} : memref<8x128xi32, #tpu.memory_space<vmem>>, vector<1x16xi32>,
    %swap3A_216 = vector.shape_cast %swap3A_215 : vector<1x16xi32> to vector<16xi32>
    %swap3A_217 = vector.shape_cast %add3A_211 : vector<16xi32> to vector<1x16xi32>
    tpu.vector_store %arg6[%swap3A_213, %swap3A_214], %swap3A_217 {strides = array<i32>} : memref<8x128xi32, #tpu.memory_space<vmem>>, vector<1x16xi32>,
    %get3A_218 = arith.constant 160 : index
    %get3A_219 = tpu.vector_load %arg5[%get3A_218] {strides = array<i32>} : memref<1024xi32, #tpu.memory_space<vmem>>, vector<16xi32>,
    %get3A_220 = vector.shape_cast %get3A_219 : vector<16xi32> to vector<16xi32>
    %add3A_221 = arith.constant 160 : i32
    %add3A_222 = arith.addi %mul3A_2, %add3A_221 : i32
    %add3A_223 = vector.broadcast %add3A_222 : i32 to vector<16xi32>
    %add3A_224 = arith.addi %add3A_223, %iota3A : vector<16xi32>
    %mul3A_225 = arith.constant 1024 : i32
    %mul3A_226 = vector.broadcast %mul3A_225 : i32 to vector<16xi32>
    %mul3A_227 = arith.muli %add3A_224, %mul3A_226 : vector<16xi32>
    %add3A_228 = arith.addi %get3A_220, %mul3A_227 : vector<16xi32>
    %swap3A_229 = arith.constant 1 : i32
    %swap3A_230 = arith.index_cast %swap3A_229 : i32 to index
    %swap3A_231 = arith.constant 32 : index
    %swap3A_232 = tpu.vector_load %arg6[%swap3A_230, %swap3A_231] {strides = array<i32>} : memref<8x128xi32, #tpu.memory_space<vmem>>, vector<1x16xi32>,
    %swap3A_233 = vector.shape_cast %swap3A_232 : vector<1x16xi32> to vector<16xi32>
    %swap3A_234 = vector.shape_cast %add3A_228 : vector<16xi32> to vector<1x16xi32>
    tpu.vector_store %arg6[%swap3A_230, %swap3A_231], %swap3A_234 {strides = array<i32>} : memref<8x128xi32, #tpu.memory_space<vmem>>, vector<1x16xi32>,
    %get3A_235 = arith.constant 176 : index
    %get3A_236 = tpu.vector_load %arg5[%get3A_235] {strides = array<i32>} : memref<1024xi32, #tpu.memory_space<vmem>>, vector<16xi32>,
    %get3A_237 = vector.shape_cast %get3A_236 : vector<16xi32> to vector<16xi32>
    %add3A_238 = arith.constant 176 : i32
    %add3A_239 = arith.addi %mul3A_2, %add3A_238 : i32
    %add3A_240 = vector.broadcast %add3A_239 : i32 to vector<16xi32>
    %add3A_241 = arith.addi %add3A_240, %iota3A : vector<16xi32>
    %mul3A_242 = arith.constant 1024 : i32
    %mul3A_243 = vector.broadcast %mul3A_242 : i32 to vector<16xi32>
    %mul3A_244 = arith.muli %add3A_241, %mul3A_243 : vector<16xi32>
    %add3A_245 = arith.addi %get3A_237, %mul3A_244 : vector<16xi32>
    %swap3A_246 = arith.constant 1 : i32
    %swap3A_247 = arith.index_cast %swap3A_246 : i32 to index
    %swap3A_248 = arith.constant 48 : index
    %swap3A_249 = tpu.vector_load %arg6[%swap3A_247, %swap3A_248] {strides = array<i32>} : memref<8x128xi32, #tpu.memory_space<vmem>>, vector<1x16xi32>,
    %swap3A_250 = vector.shape_cast %swap3A_249 : vector<1x16xi32> to vector<16xi32>
    %swap3A_251 = vector.shape_cast %add3A_245 : vector<16xi32> to vector<1x16xi32>
    tpu.vector_store %arg6[%swap3A_247, %swap3A_248], %swap3A_251 {strides = array<i32>} : memref<8x128xi32, #tpu.memory_space<vmem>>, vector<1x16xi32>,
    %get3A_252 = arith.constant 192 : index
    %get3A_253 = tpu.vector_load %arg5[%get3A_252] {strides = array<i32>} : memref<1024xi32, #tpu.memory_space<vmem>>, vector<16xi32>,
    %get3A_254 = vector.shape_cast %get3A_253 : vector<16xi32> to vector<16xi32>
    %add3A_255 = arith.constant 192 : i32
    %add3A_256 = arith.addi %mul3A_2, %add3A_255 : i32
    %add3A_257 = vector.broadcast %add3A_256 : i32 to vector<16xi32>
    %add3A_258 = arith.addi %add3A_257, %iota3A : vector<16xi32>
    %mul3A_259 = arith.constant 1024 : i32
    %mul3A_260 = vector.broadcast %mul3A_259 : i32 to vector<16xi32>
    %mul3A_261 = arith.muli %add3A_258, %mul3A_260 : vector<16xi32>
    %add3A_262 = arith.addi %get3A_254, %mul3A_261 : vector<16xi32>
    %swap3A_263 = arith.constant 1 : i32
    %swap3A_264 = arith.index_cast %swap3A_263 : i32 to index
    %swap3A_265 = arith.constant 64 : index
    %swap3A_266 = tpu.vector_load %arg6[%swap3A_264, %swap3A_265] {strides = array<i32>} : memref<8x128xi32, #tpu.memory_space<vmem>>, vector<1x16xi32>,
    %swap3A_267 = vector.shape_cast %swap3A_266 : vector<1x16xi32> to vector<16xi32>
    %swap3A_268 = vector.shape_cast %add3A_262 : vector<16xi32> to vector<1x16xi32>
    tpu.vector_store %arg6[%swap3A_264, %swap3A_265], %swap3A_268 {strides = array<i32>} : memref<8x128xi32, #tpu.memory_space<vmem>>, vector<1x16xi32>,
    %get3A_269 = arith.constant 208 : index
    %get3A_270 = tpu.vector_load %arg5[%get3A_269] {strides = array<i32>} : memref<1024xi32, #tpu.memory_space<vmem>>, vector<16xi32>,
    %get3A_271 = vector.shape_cast %get3A_270 : vector<16xi32> to vector<16xi32>
    %add3A_272 = arith.constant 208 : i32
    %add3A_273 = arith.addi %mul3A_2, %add3A_272 : i32
    %add3A_274 = vector.broadcast %add3A_273 : i32 to vector<16xi32>
    %add3A_275 = arith.addi %add3A_274, %iota3A : vector<16xi32>
    %mul3A_276 = arith.constant 1024 : i32
    %mul3A_277 = vector.broadcast %mul3A_276 : i32 to vector<16xi32>
    %mul3A_278 = arith.muli %add3A_275, %mul3A_277 : vector<16xi32>
    %add3A_279 = arith.addi %get3A_271, %mul3A_278 : vector<16xi32>
    %swap3A_280 = arith.constant 1 : i32
    %swap3A_281 = arith.index_cast %swap3A_280 : i32 to index
    %swap3A_282 = arith.constant 80 : index
    %swap3A_283 = tpu.vector_load %arg6[%swap3A_281, %swap3A_282] {strides = array<i32>} : memref<8x128xi32, #tpu.memory_space<vmem>>, vector<1x16xi32>,
    %swap3A_284 = vector.shape_cast %swap3A_283 : vector<1x16xi32> to vector<16xi32>
    %swap3A_285 = vector.shape_cast %add3A_279 : vector<16xi32> to vector<1x16xi32>
    tpu.vector_store %arg6[%swap3A_281, %swap3A_282], %swap3A_285 {strides = array<i32>} : memref<8x128xi32, #tpu.memory_space<vmem>>, vector<1x16xi32>,
    %get3A_286 = arith.constant 224 : index
    %get3A_287 = tpu.vector_load %arg5[%get3A_286] {strides = array<i32>} : memref<1024xi32, #tpu.memory_space<vmem>>, vector<16xi32>,
    %get3A_288 = vector.shape_cast %get3A_287 : vector<16xi32> to vector<16xi32>
    %add3A_289 = arith.constant 224 : i32
    %add3A_290 = arith.addi %mul3A_2, %add3A_289 : i32
    %add3A_291 = vector.broadcast %add3A_290 : i32 to vector<16xi32>
    %add3A_292 = arith.addi %add3A_291, %iota3A : vector<16xi32>
    %mul3A_293 = arith.constant 1024 : i32
    %mul3A_294 = vector.broadcast %mul3A_293 : i32 to vector<16xi32>
    %mul3A_295 = arith.muli %add3A_292, %mul3A_294 : vector<16xi32>
    %add3A_296 = arith.addi %get3A_288, %mul3A_295 : vector<16xi32>
    %swap3A_297 = arith.constant 1 : i32
    %swap3A_298 = arith.index_cast %swap3A_297 : i32 to index
    %swap3A_299 = arith.constant 96 : index
    %swap3A_300 = tpu.vector_load %arg6[%swap3A_298, %swap3A_299] {strides = array<i32>} : memref<8x128xi32, #tpu.memory_space<vmem>>, vector<1x16xi32>,
    %swap3A_301 = vector.shape_cast %swap3A_300 : vector<1x16xi32> to vector<16xi32>
    %swap3A_302 = vector.shape_cast %add3A_296 : vector<16xi32> to vector<1x16xi32>
    tpu.vector_store %arg6[%swap3A_298, %swap3A_299], %swap3A_302 {strides = array<i32>} : memref<8x128xi32, #tpu.memory_space<vmem>>, vector<1x16xi32>,
    %get3A_303 = arith.constant 240 : index
    %get3A_304 = tpu.vector_load %arg5[%get3A_303] {strides = array<i32>} : memref<1024xi32, #tpu.memory_space<vmem>>, vector<16xi32>,
    %get3A_305 = vector.shape_cast %get3A_304 : vector<16xi32> to vector<16xi32>
    %add3A_306 = arith.constant 240 : i32
    %add3A_307 = arith.addi %mul3A_2, %add3A_306 : i32
    %add3A_308 = vector.broadcast %add3A_307 : i32 to vector<16xi32>
    %add3A_309 = arith.addi %add3A_308, %iota3A : vector<16xi32>
    %mul3A_310 = arith.constant 1024 : i32
    %mul3A_311 = vector.broadcast %mul3A_310 : i32 to vector<16xi32>
    %mul3A_312 = arith.muli %add3A_309, %mul3A_311 : vector<16xi32>
    %add3A_313 = arith.addi %get3A_305, %mul3A_312 : vector<16xi32>
    %swap3A_314 = arith.constant 1 : i32
    %swap3A_315 = arith.index_cast %swap3A_314 : i32 to index
    %swap3A_316 = arith.constant 112 : index
    %swap3A_317 = tpu.vector_load %arg6[%swap3A_315, %swap3A_316] {strides = array<i32>} : memref<8x128xi32, #tpu.memory_space<vmem>>, vector<1x16xi32>,
    %swap3A_318 = vector.shape_cast %swap3A_317 : vector<1x16xi32> to vector<16xi32>
    %swap3A_319 = vector.shape_cast %add3A_313 : vector<16xi32> to vector<1x16xi32>
    tpu.vector_store %arg6[%swap3A_315, %swap3A_316], %swap3A_319 {strides = array<i32>} : memref<8x128xi32, #tpu.memory_space<vmem>>, vector<1x16xi32>,
    %get3A_320 = arith.constant 256 : index
    %get3A_321 = tpu.vector_load %arg5[%get3A_320] {strides = array<i32>} : memref<1024xi32, #tpu.memory_space<vmem>>, vector<16xi32>,
    %get3A_322 = vector.shape_cast %get3A_321 : vector<16xi32> to vector<16xi32>
    %add3A_323 = arith.constant 256 : i32
    %add3A_324 = arith.addi %mul3A_2, %add3A_323 : i32
    %add3A_325 = vector.broadcast %add3A_324 : i32 to vector<16xi32>
    %add3A_326 = arith.addi %add3A_325, %iota3A : vector<16xi32>
    %mul3A_327 = arith.constant 1024 : i32
    %mul3A_328 = vector.broadcast %mul3A_327 : i32 to vector<16xi32>
    %mul3A_329 = arith.muli %add3A_326, %mul3A_328 : vector<16xi32>
    %add3A_330 = arith.addi %get3A_322, %mul3A_329 : vector<16xi32>
    %swap3A_331 = arith.constant 2 : i32
    %swap3A_332 = arith.index_cast %swap3A_331 : i32 to index
    %swap3A_333 = arith.constant 0 : index
    %swap3A_334 = tpu.vector_load %arg6[%swap3A_332, %swap3A_333] {strides = array<i32>} : memref<8x128xi32, #tpu.memory_space<vmem>>, vector<1x16xi32>,
    %swap3A_335 = vector.shape_cast %swap3A_334 : vector<1x16xi32> to vector<16xi32>
    %swap3A_336 = vector.shape_cast %add3A_330 : vector<16xi32> to vector<1x16xi32>
    tpu.vector_store %arg6[%swap3A_332, %swap3A_333], %swap3A_336 {strides = array<i32>} : memref<8x128xi32, #tpu.memory_space<vmem>>, vector<1x16xi32>,
    %get3A_337 = arith.constant 272 : index
    %get3A_338 = tpu.vector_load %arg5[%get3A_337] {strides = array<i32>} : memref<1024xi32, #tpu.memory_space<vmem>>, vector<16xi32>,
    %get3A_339 = vector.shape_cast %get3A_338 : vector<16xi32> to vector<16xi32>
    %add3A_340 = arith.constant 272 : i32
    %add3A_341 = arith.addi %mul3A_2, %add3A_340 : i32
    %add3A_342 = vector.broadcast %add3A_341 : i32 to vector<16xi32>
    %add3A_343 = arith.addi %add3A_342, %iota3A : vector<16xi32>
    %mul3A_344 = arith.constant 1024 : i32
    %mul3A_345 = vector.broadcast %mul3A_344 : i32 to vector<16xi32>
    %mul3A_346 = arith.muli %add3A_343, %mul3A_345 : vector<16xi32>
    %add3A_347 = arith.addi %get3A_339, %mul3A_346 : vector<16xi32>
    %swap3A_348 = arith.constant 2 : i32
    %swap3A_349 = arith.index_cast %swap3A_348 : i32 to index
    %swap3A_350 = arith.constant 16 : index
    %swap3A_351 = tpu.vector_load %arg6[%swap3A_349, %swap3A_350] {strides = array<i32>} : memref<8x128xi32, #tpu.memory_space<vmem>>, vector<1x16xi32>,
    %swap3A_352 = vector.shape_cast %swap3A_351 : vector<1x16xi32> to vector<16xi32>
    %swap3A_353 = vector.shape_cast %add3A_347 : vector<16xi32> to vector<1x16xi32>
    tpu.vector_store %arg6[%swap3A_349, %swap3A_350], %swap3A_353 {strides = array<i32>} : memref<8x128xi32, #tpu.memory_space<vmem>>, vector<1x16xi32>,
    %get3A_354 = arith.constant 288 : index
    %get3A_355 = tpu.vector_load %arg5[%get3A_354] {strides = array<i32>} : memref<1024xi32, #tpu.memory_space<vmem>>, vector<16xi32>,
    %get3A_356 = vector.shape_cast %get3A_355 : vector<16xi32> to vector<16xi32>
    %add3A_357 = arith.constant 288 : i32
    %add3A_358 = arith.addi %mul3A_2, %add3A_357 : i32
    %add3A_359 = vector.broadcast %add3A_358 : i32 to vector<16xi32>
    %add3A_360 = arith.addi %add3A_359, %iota3A : vector<16xi32>
    %mul3A_361 = arith.constant 1024 : i32
    %mul3A_362 = vector.broadcast %mul3A_361 : i32 to vector<16xi32>
    %mul3A_363 = arith.muli %add3A_360, %mul3A_362 : vector<16xi32>
    %add3A_364 = arith.addi %get3A_356, %mul3A_363 : vector<16xi32>
    %swap3A_365 = arith.constant 2 : i32
    %swap3A_366 = arith.index_cast %swap3A_365 : i32 to index
    %swap3A_367 = arith.constant 32 : index
    %swap3A_368 = tpu.vector_load %arg6[%swap3A_366, %swap3A_367] {strides = array<i32>} : memref<8x128xi32, #tpu.memory_space<vmem>>, vector<1x16xi32>,
    %swap3A_369 = vector.shape_cast %swap3A_368 : vector<1x16xi32> to vector<16xi32>
    %swap3A_370 = vector.shape_cast %add3A_364 : vector<16xi32> to vector<1x16xi32>
    tpu.vector_store %arg6[%swap3A_366, %swap3A_367], %swap3A_370 {strides = array<i32>} : memref<8x128xi32, #tpu.memory_space<vmem>>, vector<1x16xi32>,
    %get3A_371 = arith.constant 304 : index
    %get3A_372 = tpu.vector_load %arg5[%get3A_371] {strides = array<i32>} : memref<1024xi32, #tpu.memory_space<vmem>>, vector<16xi32>,
    %get3A_373 = vector.shape_cast %get3A_372 : vector<16xi32> to vector<16xi32>
    %add3A_374 = arith.constant 304 : i32
    %add3A_375 = arith.addi %mul3A_2, %add3A_374 : i32
    %add3A_376 = vector.broadcast %add3A_375 : i32 to vector<16xi32>
    %add3A_377 = arith.addi %add3A_376, %iota3A : vector<16xi32>
    %mul3A_378 = arith.constant 1024 : i32
    %mul3A_379 = vector.broadcast %mul3A_378 : i32 to vector<16xi32>
    %mul3A_380 = arith.muli %add3A_377, %mul3A_379 : vector<16xi32>
    %add3A_381 = arith.addi %get3A_373, %mul3A_380 : vector<16xi32>
    %swap3A_382 = arith.constant 2 : i32
    %swap3A_383 = arith.index_cast %swap3A_382 : i32 to index
    %swap3A_384 = arith.constant 48 : index
    %swap3A_385 = tpu.vector_load %arg6[%swap3A_383, %swap3A_384] {strides = array<i32>} : memref<8x128xi32, #tpu.memory_space<vmem>>, vector<1x16xi32>,
    %swap3A_386 = vector.shape_cast %swap3A_385 : vector<1x16xi32> to vector<16xi32>
    %swap3A_387 = vector.shape_cast %add3A_381 : vector<16xi32> to vector<1x16xi32>
    tpu.vector_store %arg6[%swap3A_383, %swap3A_384], %swap3A_387 {strides = array<i32>} : memref<8x128xi32, #tpu.memory_space<vmem>>, vector<1x16xi32>,
    %get3A_388 = arith.constant 320 : index
    %get3A_389 = tpu.vector_load %arg5[%get3A_388] {strides = array<i32>} : memref<1024xi32, #tpu.memory_space<vmem>>, vector<16xi32>,
    %get3A_390 = vector.shape_cast %get3A_389 : vector<16xi32> to vector<16xi32>
    %add3A_391 = arith.constant 320 : i32
    %add3A_392 = arith.addi %mul3A_2, %add3A_391 : i32
    %add3A_393 = vector.broadcast %add3A_392 : i32 to vector<16xi32>
    %add3A_394 = arith.addi %add3A_393, %iota3A : vector<16xi32>
    %mul3A_395 = arith.constant 1024 : i32
    %mul3A_396 = vector.broadcast %mul3A_395 : i32 to vector<16xi32>
    %mul3A_397 = arith.muli %add3A_394, %mul3A_396 : vector<16xi32>
    %add3A_398 = arith.addi %get3A_390, %mul3A_397 : vector<16xi32>
    %swap3A_399 = arith.constant 2 : i32
    %swap3A_400 = arith.index_cast %swap3A_399 : i32 to index
    %swap3A_401 = arith.constant 64 : index
    %swap3A_402 = tpu.vector_load %arg6[%swap3A_400, %swap3A_401] {strides = array<i32>} : memref<8x128xi32, #tpu.memory_space<vmem>>, vector<1x16xi32>,
    %swap3A_403 = vector.shape_cast %swap3A_402 : vector<1x16xi32> to vector<16xi32>
    %swap3A_404 = vector.shape_cast %add3A_398 : vector<16xi32> to vector<1x16xi32>
    tpu.vector_store %arg6[%swap3A_400, %swap3A_401], %swap3A_404 {strides = array<i32>} : memref<8x128xi32, #tpu.memory_space<vmem>>, vector<1x16xi32>,
    %get3A_405 = arith.constant 336 : index
    %get3A_406 = tpu.vector_load %arg5[%get3A_405] {strides = array<i32>} : memref<1024xi32, #tpu.memory_space<vmem>>, vector<16xi32>,
    %get3A_407 = vector.shape_cast %get3A_406 : vector<16xi32> to vector<16xi32>
    %add3A_408 = arith.constant 336 : i32
    %add3A_409 = arith.addi %mul3A_2, %add3A_408 : i32
    %add3A_410 = vector.broadcast %add3A_409 : i32 to vector<16xi32>
    %add3A_411 = arith.addi %add3A_410, %iota3A : vector<16xi32>
    %mul3A_412 = arith.constant 1024 : i32
    %mul3A_413 = vector.broadcast %mul3A_412 : i32 to vector<16xi32>
    %mul3A_414 = arith.muli %add3A_411, %mul3A_413 : vector<16xi32>
    %add3A_415 = arith.addi %get3A_407, %mul3A_414 : vector<16xi32>
    %swap3A_416 = arith.constant 2 : i32
    %swap3A_417 = arith.index_cast %swap3A_416 : i32 to index
    %swap3A_418 = arith.constant 80 : index
    %swap3A_419 = tpu.vector_load %arg6[%swap3A_417, %swap3A_418] {strides = array<i32>} : memref<8x128xi32, #tpu.memory_space<vmem>>, vector<1x16xi32>,
    %swap3A_420 = vector.shape_cast %swap3A_419 : vector<1x16xi32> to vector<16xi32>
    %swap3A_421 = vector.shape_cast %add3A_415 : vector<16xi32> to vector<1x16xi32>
    tpu.vector_store %arg6[%swap3A_417, %swap3A_418], %swap3A_421 {strides = array<i32>} : memref<8x128xi32, #tpu.memory_space<vmem>>, vector<1x16xi32>,
    %get3A_422 = arith.constant 352 : index
    %get3A_423 = tpu.vector_load %arg5[%get3A_422] {strides = array<i32>} : memref<1024xi32, #tpu.memory_space<vmem>>, vector<16xi32>,
    %get3A_424 = vector.shape_cast %get3A_423 : vector<16xi32> to vector<16xi32>
    %add3A_425 = arith.constant 352 : i32
    %add3A_426 = arith.addi %mul3A_2, %add3A_425 : i32
    %add3A_427 = vector.broadcast %add3A_426 : i32 to vector<16xi32>
    %add3A_428 = arith.addi %add3A_427, %iota3A : vector<16xi32>
    %mul3A_429 = arith.constant 1024 : i32
    %mul3A_430 = vector.broadcast %mul3A_429 : i32 to vector<16xi32>
    %mul3A_431 = arith.muli %add3A_428, %mul3A_430 : vector<16xi32>
    %add3A_432 = arith.addi %get3A_424, %mul3A_431 : vector<16xi32>
    %swap3A_433 = arith.constant 2 : i32
    %swap3A_434 = arith.index_cast %swap3A_433 : i32 to index
    %swap3A_435 = arith.constant 96 : index
    %swap3A_436 = tpu.vector_load %arg6[%swap3A_434, %swap3A_435] {strides = array<i32>} : memref<8x128xi32, #tpu.memory_space<vmem>>, vector<1x16xi32>,
    %swap3A_437 = vector.shape_cast %swap3A_436 : vector<1x16xi32> to vector<16xi32>
    %swap3A_438 = vector.shape_cast %add3A_432 : vector<16xi32> to vector<1x16xi32>
    tpu.vector_store %arg6[%swap3A_434, %swap3A_435], %swap3A_438 {strides = array<i32>} : memref<8x128xi32, #tpu.memory_space<vmem>>, vector<1x16xi32>,
    %get3A_439 = arith.constant 368 : index
    %get3A_440 = tpu.vector_load %arg5[%get3A_439] {strides = array<i32>} : memref<1024xi32, #tpu.memory_space<vmem>>, vector<16xi32>,
    %get3A_441 = vector.shape_cast %get3A_440 : vector<16xi32> to vector<16xi32>
    %add3A_442 = arith.constant 368 : i32
    %add3A_443 = arith.addi %mul3A_2, %add3A_442 : i32
    %add3A_444 = vector.broadcast %add3A_443 : i32 to vector<16xi32>
    %add3A_445 = arith.addi %add3A_444, %iota3A : vector<16xi32>
    %mul3A_446 = arith.constant 1024 : i32
    %mul3A_447 = vector.broadcast %mul3A_446 : i32 to vector<16xi32>
    %mul3A_448 = arith.muli %add3A_445, %mul3A_447 : vector<16xi32>
    %add3A_449 = arith.addi %get3A_441, %mul3A_448 : vector<16xi32>
    %swap3A_450 = arith.constant 2 : i32
    %swap3A_451 = arith.index_cast %swap3A_450 : i32 to index
    %swap3A_452 = arith.constant 112 : index
    %swap3A_453 = tpu.vector_load %arg6[%swap3A_451, %swap3A_452] {strides = array<i32>} : memref<8x128xi32, #tpu.memory_space<vmem>>, vector<1x16xi32>,
    %swap3A_454 = vector.shape_cast %swap3A_453 : vector<1x16xi32> to vector<16xi32>
    %swap3A_455 = vector.shape_cast %add3A_449 : vector<16xi32> to vector<1x16xi32>
    tpu.vector_store %arg6[%swap3A_451, %swap3A_452], %swap3A_455 {strides = array<i32>} : memref<8x128xi32, #tpu.memory_space<vmem>>, vector<1x16xi32>,
    %get3A_456 = arith.constant 384 : index
    %get3A_457 = tpu.vector_load %arg5[%get3A_456] {strides = array<i32>} : memref<1024xi32, #tpu.memory_space<vmem>>, vector<16xi32>,
    %get3A_458 = vector.shape_cast %get3A_457 : vector<16xi32> to vector<16xi32>
    %add3A_459 = arith.constant 384 : i32
    %add3A_460 = arith.addi %mul3A_2, %add3A_459 : i32
    %add3A_461 = vector.broadcast %add3A_460 : i32 to vector<16xi32>
    %add3A_462 = arith.addi %add3A_461, %iota3A : vector<16xi32>
    %mul3A_463 = arith.constant 1024 : i32
    %mul3A_464 = vector.broadcast %mul3A_463 : i32 to vector<16xi32>
    %mul3A_465 = arith.muli %add3A_462, %mul3A_464 : vector<16xi32>
    %add3A_466 = arith.addi %get3A_458, %mul3A_465 : vector<16xi32>
    %swap3A_467 = arith.constant 3 : i32
    %swap3A_468 = arith.index_cast %swap3A_467 : i32 to index
    %swap3A_469 = arith.constant 0 : index
    %swap3A_470 = tpu.vector_load %arg6[%swap3A_468, %swap3A_469] {strides = array<i32>} : memref<8x128xi32, #tpu.memory_space<vmem>>, vector<1x16xi32>,
    %swap3A_471 = vector.shape_cast %swap3A_470 : vector<1x16xi32> to vector<16xi32>
    %swap3A_472 = vector.shape_cast %add3A_466 : vector<16xi32> to vector<1x16xi32>
    tpu.vector_store %arg6[%swap3A_468, %swap3A_469], %swap3A_472 {strides = array<i32>} : memref<8x128xi32, #tpu.memory_space<vmem>>, vector<1x16xi32>,
    %get3A_473 = arith.constant 400 : index
    %get3A_474 = tpu.vector_load %arg5[%get3A_473] {strides = array<i32>} : memref<1024xi32, #tpu.memory_space<vmem>>, vector<16xi32>,
    %get3A_475 = vector.shape_cast %get3A_474 : vector<16xi32> to vector<16xi32>
    %add3A_476 = arith.constant 400 : i32
    %add3A_477 = arith.addi %mul3A_2, %add3A_476 : i32
    %add3A_478 = vector.broadcast %add3A_477 : i32 to vector<16xi32>
    %add3A_479 = arith.addi %add3A_478, %iota3A : vector<16xi32>
    %mul3A_480 = arith.constant 1024 : i32
    %mul3A_481 = vector.broadcast %mul3A_480 : i32 to vector<16xi32>
    %mul3A_482 = arith.muli %add3A_479, %mul3A_481 : vector<16xi32>
    %add3A_483 = arith.addi %get3A_475, %mul3A_482 : vector<16xi32>
    %swap3A_484 = arith.constant 3 : i32
    %swap3A_485 = arith.index_cast %swap3A_484 : i32 to index
    %swap3A_486 = arith.constant 16 : index
    %swap3A_487 = tpu.vector_load %arg6[%swap3A_485, %swap3A_486] {strides = array<i32>} : memref<8x128xi32, #tpu.memory_space<vmem>>, vector<1x16xi32>,
    %swap3A_488 = vector.shape_cast %swap3A_487 : vector<1x16xi32> to vector<16xi32>
    %swap3A_489 = vector.shape_cast %add3A_483 : vector<16xi32> to vector<1x16xi32>
    tpu.vector_store %arg6[%swap3A_485, %swap3A_486], %swap3A_489 {strides = array<i32>} : memref<8x128xi32, #tpu.memory_space<vmem>>, vector<1x16xi32>,
    %get3A_490 = arith.constant 416 : index
    %get3A_491 = tpu.vector_load %arg5[%get3A_490] {strides = array<i32>} : memref<1024xi32, #tpu.memory_space<vmem>>, vector<16xi32>,
    %get3A_492 = vector.shape_cast %get3A_491 : vector<16xi32> to vector<16xi32>
    %add3A_493 = arith.constant 416 : i32
    %add3A_494 = arith.addi %mul3A_2, %add3A_493 : i32
    %add3A_495 = vector.broadcast %add3A_494 : i32 to vector<16xi32>
    %add3A_496 = arith.addi %add3A_495, %iota3A : vector<16xi32>
    %mul3A_497 = arith.constant 1024 : i32
    %mul3A_498 = vector.broadcast %mul3A_497 : i32 to vector<16xi32>
    %mul3A_499 = arith.muli %add3A_496, %mul3A_498 : vector<16xi32>
    %add3A_500 = arith.addi %get3A_492, %mul3A_499 : vector<16xi32>
    %swap3A_501 = arith.constant 3 : i32
    %swap3A_502 = arith.index_cast %swap3A_501 : i32 to index
    %swap3A_503 = arith.constant 32 : index
    %swap3A_504 = tpu.vector_load %arg6[%swap3A_502, %swap3A_503] {strides = array<i32>} : memref<8x128xi32, #tpu.memory_space<vmem>>, vector<1x16xi32>,
    %swap3A_505 = vector.shape_cast %swap3A_504 : vector<1x16xi32> to vector<16xi32>
    %swap3A_506 = vector.shape_cast %add3A_500 : vector<16xi32> to vector<1x16xi32>
    tpu.vector_store %arg6[%swap3A_502, %swap3A_503], %swap3A_506 {strides = array<i32>} : memref<8x128xi32, #tpu.memory_space<vmem>>, vector<1x16xi32>,
    %get3A_507 = arith.constant 432 : index
    %get3A_508 = tpu.vector_load %arg5[%get3A_507] {strides = array<i32>} : memref<1024xi32, #tpu.memory_space<vmem>>, vector<16xi32>,
    %get3A_509 = vector.shape_cast %get3A_508 : vector<16xi32> to vector<16xi32>
    %add3A_510 = arith.constant 432 : i32
    %add3A_511 = arith.addi %mul3A_2, %add3A_510 : i32
    %add3A_512 = vector.broadcast %add3A_511 : i32 to vector<16xi32>
    %add3A_513 = arith.addi %add3A_512, %iota3A : vector<16xi32>
    %mul3A_514 = arith.constant 1024 : i32
    %mul3A_515 = vector.broadcast %mul3A_514 : i32 to vector<16xi32>
    %mul3A_516 = arith.muli %add3A_513, %mul3A_515 : vector<16xi32>
    %add3A_517 = arith.addi %get3A_509, %mul3A_516 : vector<16xi32>
    %swap3A_518 = arith.constant 3 : i32
    %swap3A_519 = arith.index_cast %swap3A_518 : i32 to index
    %swap3A_520 = arith.constant 48 : index
    %swap3A_521 = tpu.vector_load %arg6[%swap3A_519, %swap3A_520] {strides = array<i32>} : memref<8x128xi32, #tpu.memory_space<vmem>>, vector<1x16xi32>,
    %swap3A_522 = vector.shape_cast %swap3A_521 : vector<1x16xi32> to vector<16xi32>
    %swap3A_523 = vector.shape_cast %add3A_517 : vector<16xi32> to vector<1x16xi32>
    tpu.vector_store %arg6[%swap3A_519, %swap3A_520], %swap3A_523 {strides = array<i32>} : memref<8x128xi32, #tpu.memory_space<vmem>>, vector<1x16xi32>,
    %get3A_524 = arith.constant 448 : index
    %get3A_525 = tpu.vector_load %arg5[%get3A_524] {strides = array<i32>} : memref<1024xi32, #tpu.memory_space<vmem>>, vector<16xi32>,
    %get3A_526 = vector.shape_cast %get3A_525 : vector<16xi32> to vector<16xi32>
    %add3A_527 = arith.constant 448 : i32
    %add3A_528 = arith.addi %mul3A_2, %add3A_527 : i32
    %add3A_529 = vector.broadcast %add3A_528 : i32 to vector<16xi32>
    %add3A_530 = arith.addi %add3A_529, %iota3A : vector<16xi32>
    %mul3A_531 = arith.constant 1024 : i32
    %mul3A_532 = vector.broadcast %mul3A_531 : i32 to vector<16xi32>
    %mul3A_533 = arith.muli %add3A_530, %mul3A_532 : vector<16xi32>
    %add3A_534 = arith.addi %get3A_526, %mul3A_533 : vector<16xi32>
    %swap3A_535 = arith.constant 3 : i32
    %swap3A_536 = arith.index_cast %swap3A_535 : i32 to index
    %swap3A_537 = arith.constant 64 : index
    %swap3A_538 = tpu.vector_load %arg6[%swap3A_536, %swap3A_537] {strides = array<i32>} : memref<8x128xi32, #tpu.memory_space<vmem>>, vector<1x16xi32>,
    %swap3A_539 = vector.shape_cast %swap3A_538 : vector<1x16xi32> to vector<16xi32>
    %swap3A_540 = vector.shape_cast %add3A_534 : vector<16xi32> to vector<1x16xi32>
    tpu.vector_store %arg6[%swap3A_536, %swap3A_537], %swap3A_540 {strides = array<i32>} : memref<8x128xi32, #tpu.memory_space<vmem>>, vector<1x16xi32>,
    %get3A_541 = arith.constant 464 : index
    %get3A_542 = tpu.vector_load %arg5[%get3A_541] {strides = array<i32>} : memref<1024xi32, #tpu.memory_space<vmem>>, vector<16xi32>,
    %get3A_543 = vector.shape_cast %get3A_542 : vector<16xi32> to vector<16xi32>
    %add3A_544 = arith.constant 464 : i32
    %add3A_545 = arith.addi %mul3A_2, %add3A_544 : i32
    %add3A_546 = vector.broadcast %add3A_545 : i32 to vector<16xi32>
    %add3A_547 = arith.addi %add3A_546, %iota3A : vector<16xi32>
    %mul3A_548 = arith.constant 1024 : i32
    %mul3A_549 = vector.broadcast %mul3A_548 : i32 to vector<16xi32>
    %mul3A_550 = arith.muli %add3A_547, %mul3A_549 : vector<16xi32>
    %add3A_551 = arith.addi %get3A_543, %mul3A_550 : vector<16xi32>
    %swap3A_552 = arith.constant 3 : i32
    %swap3A_553 = arith.index_cast %swap3A_552 : i32 to index
    %swap3A_554 = arith.constant 80 : index
    %swap3A_555 = tpu.vector_load %arg6[%swap3A_553, %swap3A_554] {strides = array<i32>} : memref<8x128xi32, #tpu.memory_space<vmem>>, vector<1x16xi32>,
    %swap3A_556 = vector.shape_cast %swap3A_555 : vector<1x16xi32> to vector<16xi32>
    %swap3A_557 = vector.shape_cast %add3A_551 : vector<16xi32> to vector<1x16xi32>
    tpu.vector_store %arg6[%swap3A_553, %swap3A_554], %swap3A_557 {strides = array<i32>} : memref<8x128xi32, #tpu.memory_space<vmem>>, vector<1x16xi32>,
    %get3A_558 = arith.constant 480 : index
    %get3A_559 = tpu.vector_load %arg5[%get3A_558] {strides = array<i32>} : memref<1024xi32, #tpu.memory_space<vmem>>, vector<16xi32>,
    %get3A_560 = vector.shape_cast %get3A_559 : vector<16xi32> to vector<16xi32>
    %add3A_561 = arith.constant 480 : i32
    %add3A_562 = arith.addi %mul3A_2, %add3A_561 : i32
    %add3A_563 = vector.broadcast %add3A_562 : i32 to vector<16xi32>
    %add3A_564 = arith.addi %add3A_563, %iota3A : vector<16xi32>
    %mul3A_565 = arith.constant 1024 : i32
    %mul3A_566 = vector.broadcast %mul3A_565 : i32 to vector<16xi32>
    %mul3A_567 = arith.muli %add3A_564, %mul3A_566 : vector<16xi32>
    %add3A_568 = arith.addi %get3A_560, %mul3A_567 : vector<16xi32>
    %swap3A_569 = arith.constant 3 : i32
    %swap3A_570 = arith.index_cast %swap3A_569 : i32 to index
    %swap3A_571 = arith.constant 96 : index
    %swap3A_572 = tpu.vector_load %arg6[%swap3A_570, %swap3A_571] {strides = array<i32>} : memref<8x128xi32, #tpu.memory_space<vmem>>, vector<1x16xi32>,
    %swap3A_573 = vector.shape_cast %swap3A_572 : vector<1x16xi32> to vector<16xi32>
    %swap3A_574 = vector.shape_cast %add3A_568 : vector<16xi32> to vector<1x16xi32>
    tpu.vector_store %arg6[%swap3A_570, %swap3A_571], %swap3A_574 {strides = array<i32>} : memref<8x128xi32, #tpu.memory_space<vmem>>, vector<1x16xi32>,
    %get3A_575 = arith.constant 496 : index
    %get3A_576 = tpu.vector_load %arg5[%get3A_575] {strides = array<i32>} : memref<1024xi32, #tpu.memory_space<vmem>>, vector<16xi32>,
    %get3A_577 = vector.shape_cast %get3A_576 : vector<16xi32> to vector<16xi32>
    %add3A_578 = arith.constant 496 : i32
    %add3A_579 = arith.addi %mul3A_2, %add3A_578 : i32
    %add3A_580 = vector.broadcast %add3A_579 : i32 to vector<16xi32>
    %add3A_581 = arith.addi %add3A_580, %iota3A : vector<16xi32>
    %mul3A_582 = arith.constant 1024 : i32
    %mul3A_583 = vector.broadcast %mul3A_582 : i32 to vector<16xi32>
    %mul3A_584 = arith.muli %add3A_581, %mul3A_583 : vector<16xi32>
    %add3A_585 = arith.addi %get3A_577, %mul3A_584 : vector<16xi32>
    %swap3A_586 = arith.constant 3 : i32
    %swap3A_587 = arith.index_cast %swap3A_586 : i32 to index
    %swap3A_588 = arith.constant 112 : index
    %swap3A_589 = tpu.vector_load %arg6[%swap3A_587, %swap3A_588] {strides = array<i32>} : memref<8x128xi32, #tpu.memory_space<vmem>>, vector<1x16xi32>,
    %swap3A_590 = vector.shape_cast %swap3A_589 : vector<1x16xi32> to vector<16xi32>
    %swap3A_591 = vector.shape_cast %add3A_585 : vector<16xi32> to vector<1x16xi32>
    tpu.vector_store %arg6[%swap3A_587, %swap3A_588], %swap3A_591 {strides = array<i32>} : memref<8x128xi32, #tpu.memory_space<vmem>>, vector<1x16xi32>,
    %get3A_592 = arith.constant 512 : index
    %get3A_593 = tpu.vector_load %arg5[%get3A_592] {strides = array<i32>} : memref<1024xi32, #tpu.memory_space<vmem>>, vector<16xi32>,
    %get3A_594 = vector.shape_cast %get3A_593 : vector<16xi32> to vector<16xi32>
    %add3A_595 = arith.constant 512 : i32
    %add3A_596 = arith.addi %mul3A_2, %add3A_595 : i32
    %add3A_597 = vector.broadcast %add3A_596 : i32 to vector<16xi32>
    %add3A_598 = arith.addi %add3A_597, %iota3A : vector<16xi32>
    %mul3A_599 = arith.constant 1024 : i32
    %mul3A_600 = vector.broadcast %mul3A_599 : i32 to vector<16xi32>
    %mul3A_601 = arith.muli %add3A_598, %mul3A_600 : vector<16xi32>
    %add3A_602 = arith.addi %get3A_594, %mul3A_601 : vector<16xi32>
    %swap3A_603 = arith.constant 4 : i32
    %swap3A_604 = arith.index_cast %swap3A_603 : i32 to index
    %swap3A_605 = arith.constant 0 : index
    %swap3A_606 = tpu.vector_load %arg6[%swap3A_604, %swap3A_605] {strides = array<i32>} : memref<8x128xi32, #tpu.memory_space<vmem>>, vector<1x16xi32>,
    %swap3A_607 = vector.shape_cast %swap3A_606 : vector<1x16xi32> to vector<16xi32>
    %swap3A_608 = vector.shape_cast %add3A_602 : vector<16xi32> to vector<1x16xi32>
    tpu.vector_store %arg6[%swap3A_604, %swap3A_605], %swap3A_608 {strides = array<i32>} : memref<8x128xi32, #tpu.memory_space<vmem>>, vector<1x16xi32>,
    %get3A_609 = arith.constant 528 : index
    %get3A_610 = tpu.vector_load %arg5[%get3A_609] {strides = array<i32>} : memref<1024xi32, #tpu.memory_space<vmem>>, vector<16xi32>,
    %get3A_611 = vector.shape_cast %get3A_610 : vector<16xi32> to vector<16xi32>
    %add3A_612 = arith.constant 528 : i32
    %add3A_613 = arith.addi %mul3A_2, %add3A_612 : i32
    %add3A_614 = vector.broadcast %add3A_613 : i32 to vector<16xi32>
    %add3A_615 = arith.addi %add3A_614, %iota3A : vector<16xi32>
    %mul3A_616 = arith.constant 1024 : i32
    %mul3A_617 = vector.broadcast %mul3A_616 : i32 to vector<16xi32>
    %mul3A_618 = arith.muli %add3A_615, %mul3A_617 : vector<16xi32>
    %add3A_619 = arith.addi %get3A_611, %mul3A_618 : vector<16xi32>
    %swap3A_620 = arith.constant 4 : i32
    %swap3A_621 = arith.index_cast %swap3A_620 : i32 to index
    %swap3A_622 = arith.constant 16 : index
    %swap3A_623 = tpu.vector_load %arg6[%swap3A_621, %swap3A_622] {strides = array<i32>} : memref<8x128xi32, #tpu.memory_space<vmem>>, vector<1x16xi32>,
    %swap3A_624 = vector.shape_cast %swap3A_623 : vector<1x16xi32> to vector<16xi32>
    %swap3A_625 = vector.shape_cast %add3A_619 : vector<16xi32> to vector<1x16xi32>
    tpu.vector_store %arg6[%swap3A_621, %swap3A_622], %swap3A_625 {strides = array<i32>} : memref<8x128xi32, #tpu.memory_space<vmem>>, vector<1x16xi32>,
    %get3A_626 = arith.constant 544 : index
    %get3A_627 = tpu.vector_load %arg5[%get3A_626] {strides = array<i32>} : memref<1024xi32, #tpu.memory_space<vmem>>, vector<16xi32>,
    %get3A_628 = vector.shape_cast %get3A_627 : vector<16xi32> to vector<16xi32>
    %add3A_629 = arith.constant 544 : i32
    %add3A_630 = arith.addi %mul3A_2, %add3A_629 : i32
    %add3A_631 = vector.broadcast %add3A_630 : i32 to vector<16xi32>
    %add3A_632 = arith.addi %add3A_631, %iota3A : vector<16xi32>
    %mul3A_633 = arith.constant 1024 : i32
    %mul3A_634 = vector.broadcast %mul3A_633 : i32 to vector<16xi32>
    %mul3A_635 = arith.muli %add3A_632, %mul3A_634 : vector<16xi32>
    %add3A_636 = arith.addi %get3A_628, %mul3A_635 : vector<16xi32>
    %swap3A_637 = arith.constant 4 : i32
    %swap3A_638 = arith.index_cast %swap3A_637 : i32 to index
    %swap3A_639 = arith.constant 32 : index
    %swap3A_640 = tpu.vector_load %arg6[%swap3A_638, %swap3A_639] {strides = array<i32>} : memref<8x128xi32, #tpu.memory_space<vmem>>, vector<1x16xi32>,
    %swap3A_641 = vector.shape_cast %swap3A_640 : vector<1x16xi32> to vector<16xi32>
    %swap3A_642 = vector.shape_cast %add3A_636 : vector<16xi32> to vector<1x16xi32>
    tpu.vector_store %arg6[%swap3A_638, %swap3A_639], %swap3A_642 {strides = array<i32>} : memref<8x128xi32, #tpu.memory_space<vmem>>, vector<1x16xi32>,
    %get3A_643 = arith.constant 560 : index
    %get3A_644 = tpu.vector_load %arg5[%get3A_643] {strides = array<i32>} : memref<1024xi32, #tpu.memory_space<vmem>>, vector<16xi32>,
    %get3A_645 = vector.shape_cast %get3A_644 : vector<16xi32> to vector<16xi32>
    %add3A_646 = arith.constant 560 : i32
    %add3A_647 = arith.addi %mul3A_2, %add3A_646 : i32
    %add3A_648 = vector.broadcast %add3A_647 : i32 to vector<16xi32>
    %add3A_649 = arith.addi %add3A_648, %iota3A : vector<16xi32>
    %mul3A_650 = arith.constant 1024 : i32
    %mul3A_651 = vector.broadcast %mul3A_650 : i32 to vector<16xi32>
    %mul3A_652 = arith.muli %add3A_649, %mul3A_651 : vector<16xi32>
    %add3A_653 = arith.addi %get3A_645, %mul3A_652 : vector<16xi32>
    %swap3A_654 = arith.constant 4 : i32
    %swap3A_655 = arith.index_cast %swap3A_654 : i32 to index
    %swap3A_656 = arith.constant 48 : index
    %swap3A_657 = tpu.vector_load %arg6[%swap3A_655, %swap3A_656] {strides = array<i32>} : memref<8x128xi32, #tpu.memory_space<vmem>>, vector<1x16xi32>,
    %swap3A_658 = vector.shape_cast %swap3A_657 : vector<1x16xi32> to vector<16xi32>
    %swap3A_659 = vector.shape_cast %add3A_653 : vector<16xi32> to vector<1x16xi32>
    tpu.vector_store %arg6[%swap3A_655, %swap3A_656], %swap3A_659 {strides = array<i32>} : memref<8x128xi32, #tpu.memory_space<vmem>>, vector<1x16xi32>,
    %get3A_660 = arith.constant 576 : index
    %get3A_661 = tpu.vector_load %arg5[%get3A_660] {strides = array<i32>} : memref<1024xi32, #tpu.memory_space<vmem>>, vector<16xi32>,
    %get3A_662 = vector.shape_cast %get3A_661 : vector<16xi32> to vector<16xi32>
    %add3A_663 = arith.constant 576 : i32
    %add3A_664 = arith.addi %mul3A_2, %add3A_663 : i32
    %add3A_665 = vector.broadcast %add3A_664 : i32 to vector<16xi32>
    %add3A_666 = arith.addi %add3A_665, %iota3A : vector<16xi32>
    %mul3A_667 = arith.constant 1024 : i32
    %mul3A_668 = vector.broadcast %mul3A_667 : i32 to vector<16xi32>
    %mul3A_669 = arith.muli %add3A_666, %mul3A_668 : vector<16xi32>
    %add3A_670 = arith.addi %get3A_662, %mul3A_669 : vector<16xi32>
    %swap3A_671 = arith.constant 4 : i32
    %swap3A_672 = arith.index_cast %swap3A_671 : i32 to index
    %swap3A_673 = arith.constant 64 : index
    %swap3A_674 = tpu.vector_load %arg6[%swap3A_672, %swap3A_673] {strides = array<i32>} : memref<8x128xi32, #tpu.memory_space<vmem>>, vector<1x16xi32>,
    %swap3A_675 = vector.shape_cast %swap3A_674 : vector<1x16xi32> to vector<16xi32>
    %swap3A_676 = vector.shape_cast %add3A_670 : vector<16xi32> to vector<1x16xi32>
    tpu.vector_store %arg6[%swap3A_672, %swap3A_673], %swap3A_676 {strides = array<i32>} : memref<8x128xi32, #tpu.memory_space<vmem>>, vector<1x16xi32>,
    %get3A_677 = arith.constant 592 : index
    %get3A_678 = tpu.vector_load %arg5[%get3A_677] {strides = array<i32>} : memref<1024xi32, #tpu.memory_space<vmem>>, vector<16xi32>,
    %get3A_679 = vector.shape_cast %get3A_678 : vector<16xi32> to vector<16xi32>
    %add3A_680 = arith.constant 592 : i32
    %add3A_681 = arith.addi %mul3A_2, %add3A_680 : i32
    %add3A_682 = vector.broadcast %add3A_681 : i32 to vector<16xi32>
    %add3A_683 = arith.addi %add3A_682, %iota3A : vector<16xi32>
    %mul3A_684 = arith.constant 1024 : i32
    %mul3A_685 = vector.broadcast %mul3A_684 : i32 to vector<16xi32>
    %mul3A_686 = arith.muli %add3A_683, %mul3A_685 : vector<16xi32>
    %add3A_687 = arith.addi %get3A_679, %mul3A_686 : vector<16xi32>
    %swap3A_688 = arith.constant 4 : i32
    %swap3A_689 = arith.index_cast %swap3A_688 : i32 to index
    %swap3A_690 = arith.constant 80 : index
    %swap3A_691 = tpu.vector_load %arg6[%swap3A_689, %swap3A_690] {strides = array<i32>} : memref<8x128xi32, #tpu.memory_space<vmem>>, vector<1x16xi32>,
    %swap3A_692 = vector.shape_cast %swap3A_691 : vector<1x16xi32> to vector<16xi32>
    %swap3A_693 = vector.shape_cast %add3A_687 : vector<16xi32> to vector<1x16xi32>
    tpu.vector_store %arg6[%swap3A_689, %swap3A_690], %swap3A_693 {strides = array<i32>} : memref<8x128xi32, #tpu.memory_space<vmem>>, vector<1x16xi32>,
    %get3A_694 = arith.constant 608 : index
    %get3A_695 = tpu.vector_load %arg5[%get3A_694] {strides = array<i32>} : memref<1024xi32, #tpu.memory_space<vmem>>, vector<16xi32>,
    %get3A_696 = vector.shape_cast %get3A_695 : vector<16xi32> to vector<16xi32>
    %add3A_697 = arith.constant 608 : i32
    %add3A_698 = arith.addi %mul3A_2, %add3A_697 : i32
    %add3A_699 = vector.broadcast %add3A_698 : i32 to vector<16xi32>
    %add3A_700 = arith.addi %add3A_699, %iota3A : vector<16xi32>
    %mul3A_701 = arith.constant 1024 : i32
    %mul3A_702 = vector.broadcast %mul3A_701 : i32 to vector<16xi32>
    %mul3A_703 = arith.muli %add3A_700, %mul3A_702 : vector<16xi32>
    %add3A_704 = arith.addi %get3A_696, %mul3A_703 : vector<16xi32>
    %swap3A_705 = arith.constant 4 : i32
    %swap3A_706 = arith.index_cast %swap3A_705 : i32 to index
    %swap3A_707 = arith.constant 96 : index
    %swap3A_708 = tpu.vector_load %arg6[%swap3A_706, %swap3A_707] {strides = array<i32>} : memref<8x128xi32, #tpu.memory_space<vmem>>, vector<1x16xi32>,
    %swap3A_709 = vector.shape_cast %swap3A_708 : vector<1x16xi32> to vector<16xi32>
    %swap3A_710 = vector.shape_cast %add3A_704 : vector<16xi32> to vector<1x16xi32>
    tpu.vector_store %arg6[%swap3A_706, %swap3A_707], %swap3A_710 {strides = array<i32>} : memref<8x128xi32, #tpu.memory_space<vmem>>, vector<1x16xi32>,
    %get3A_711 = arith.constant 624 : index
    %get3A_712 = tpu.vector_load %arg5[%get3A_711] {strides = array<i32>} : memref<1024xi32, #tpu.memory_space<vmem>>, vector<16xi32>,
    %get3A_713 = vector.shape_cast %get3A_712 : vector<16xi32> to vector<16xi32>
    %add3A_714 = arith.constant 624 : i32
    %add3A_715 = arith.addi %mul3A_2, %add3A_714 : i32
    %add3A_716 = vector.broadcast %add3A_715 : i32 to vector<16xi32>
    %add3A_717 = arith.addi %add3A_716, %iota3A : vector<16xi32>
    %mul3A_718 = arith.constant 1024 : i32
    %mul3A_719 = vector.broadcast %mul3A_718 : i32 to vector<16xi32>
    %mul3A_720 = arith.muli %add3A_717, %mul3A_719 : vector<16xi32>
    %add3A_721 = arith.addi %get3A_713, %mul3A_720 : vector<16xi32>
    %swap3A_722 = arith.constant 4 : i32
    %swap3A_723 = arith.index_cast %swap3A_722 : i32 to index
    %swap3A_724 = arith.constant 112 : index
    %swap3A_725 = tpu.vector_load %arg6[%swap3A_723, %swap3A_724] {strides = array<i32>} : memref<8x128xi32, #tpu.memory_space<vmem>>, vector<1x16xi32>,
    %swap3A_726 = vector.shape_cast %swap3A_725 : vector<1x16xi32> to vector<16xi32>
    %swap3A_727 = vector.shape_cast %add3A_721 : vector<16xi32> to vector<1x16xi32>
    tpu.vector_store %arg6[%swap3A_723, %swap3A_724], %swap3A_727 {strides = array<i32>} : memref<8x128xi32, #tpu.memory_space<vmem>>, vector<1x16xi32>,
    %get3A_728 = arith.constant 640 : index
    %get3A_729 = tpu.vector_load %arg5[%get3A_728] {strides = array<i32>} : memref<1024xi32, #tpu.memory_space<vmem>>, vector<16xi32>,
    %get3A_730 = vector.shape_cast %get3A_729 : vector<16xi32> to vector<16xi32>
    %add3A_731 = arith.constant 640 : i32
    %add3A_732 = arith.addi %mul3A_2, %add3A_731 : i32
    %add3A_733 = vector.broadcast %add3A_732 : i32 to vector<16xi32>
    %add3A_734 = arith.addi %add3A_733, %iota3A : vector<16xi32>
    %mul3A_735 = arith.constant 1024 : i32
    %mul3A_736 = vector.broadcast %mul3A_735 : i32 to vector<16xi32>
    %mul3A_737 = arith.muli %add3A_734, %mul3A_736 : vector<16xi32>
    %add3A_738 = arith.addi %get3A_730, %mul3A_737 : vector<16xi32>
    %swap3A_739 = arith.constant 5 : i32
    %swap3A_740 = arith.index_cast %swap3A_739 : i32 to index
    %swap3A_741 = arith.constant 0 : index
    %swap3A_742 = tpu.vector_load %arg6[%swap3A_740, %swap3A_741] {strides = array<i32>} : memref<8x128xi32, #tpu.memory_space<vmem>>, vector<1x16xi32>,
    %swap3A_743 = vector.shape_cast %swap3A_742 : vector<1x16xi32> to vector<16xi32>
    %swap3A_744 = vector.shape_cast %add3A_738 : vector<16xi32> to vector<1x16xi32>
    tpu.vector_store %arg6[%swap3A_740, %swap3A_741], %swap3A_744 {strides = array<i32>} : memref<8x128xi32, #tpu.memory_space<vmem>>, vector<1x16xi32>,
    %get3A_745 = arith.constant 656 : index
    %get3A_746 = tpu.vector_load %arg5[%get3A_745] {strides = array<i32>} : memref<1024xi32, #tpu.memory_space<vmem>>, vector<16xi32>,
    %get3A_747 = vector.shape_cast %get3A_746 : vector<16xi32> to vector<16xi32>
    %add3A_748 = arith.constant 656 : i32
    %add3A_749 = arith.addi %mul3A_2, %add3A_748 : i32
    %add3A_750 = vector.broadcast %add3A_749 : i32 to vector<16xi32>
    %add3A_751 = arith.addi %add3A_750, %iota3A : vector<16xi32>
    %mul3A_752 = arith.constant 1024 : i32
    %mul3A_753 = vector.broadcast %mul3A_752 : i32 to vector<16xi32>
    %mul3A_754 = arith.muli %add3A_751, %mul3A_753 : vector<16xi32>
    %add3A_755 = arith.addi %get3A_747, %mul3A_754 : vector<16xi32>
    %swap3A_756 = arith.constant 5 : i32
    %swap3A_757 = arith.index_cast %swap3A_756 : i32 to index
    %swap3A_758 = arith.constant 16 : index
    %swap3A_759 = tpu.vector_load %arg6[%swap3A_757, %swap3A_758] {strides = array<i32>} : memref<8x128xi32, #tpu.memory_space<vmem>>, vector<1x16xi32>,
    %swap3A_760 = vector.shape_cast %swap3A_759 : vector<1x16xi32> to vector<16xi32>
    %swap3A_761 = vector.shape_cast %add3A_755 : vector<16xi32> to vector<1x16xi32>
    tpu.vector_store %arg6[%swap3A_757, %swap3A_758], %swap3A_761 {strides = array<i32>} : memref<8x128xi32, #tpu.memory_space<vmem>>, vector<1x16xi32>,
    %get3A_762 = arith.constant 672 : index
    %get3A_763 = tpu.vector_load %arg5[%get3A_762] {strides = array<i32>} : memref<1024xi32, #tpu.memory_space<vmem>>, vector<16xi32>,
    %get3A_764 = vector.shape_cast %get3A_763 : vector<16xi32> to vector<16xi32>
    %add3A_765 = arith.constant 672 : i32
    %add3A_766 = arith.addi %mul3A_2, %add3A_765 : i32
    %add3A_767 = vector.broadcast %add3A_766 : i32 to vector<16xi32>
    %add3A_768 = arith.addi %add3A_767, %iota3A : vector<16xi32>
    %mul3A_769 = arith.constant 1024 : i32
    %mul3A_770 = vector.broadcast %mul3A_769 : i32 to vector<16xi32>
    %mul3A_771 = arith.muli %add3A_768, %mul3A_770 : vector<16xi32>
    %add3A_772 = arith.addi %get3A_764, %mul3A_771 : vector<16xi32>
    %swap3A_773 = arith.constant 5 : i32
    %swap3A_774 = arith.index_cast %swap3A_773 : i32 to index
    %swap3A_775 = arith.constant 32 : index
    %swap3A_776 = tpu.vector_load %arg6[%swap3A_774, %swap3A_775] {strides = array<i32>} : memref<8x128xi32, #tpu.memory_space<vmem>>, vector<1x16xi32>,
    %swap3A_777 = vector.shape_cast %swap3A_776 : vector<1x16xi32> to vector<16xi32>
    %swap3A_778 = vector.shape_cast %add3A_772 : vector<16xi32> to vector<1x16xi32>
    tpu.vector_store %arg6[%swap3A_774, %swap3A_775], %swap3A_778 {strides = array<i32>} : memref<8x128xi32, #tpu.memory_space<vmem>>, vector<1x16xi32>,
    %get3A_779 = arith.constant 688 : index
    %get3A_780 = tpu.vector_load %arg5[%get3A_779] {strides = array<i32>} : memref<1024xi32, #tpu.memory_space<vmem>>, vector<16xi32>,
    %get3A_781 = vector.shape_cast %get3A_780 : vector<16xi32> to vector<16xi32>
    %add3A_782 = arith.constant 688 : i32
    %add3A_783 = arith.addi %mul3A_2, %add3A_782 : i32
    %add3A_784 = vector.broadcast %add3A_783 : i32 to vector<16xi32>
    %add3A_785 = arith.addi %add3A_784, %iota3A : vector<16xi32>
    %mul3A_786 = arith.constant 1024 : i32
    %mul3A_787 = vector.broadcast %mul3A_786 : i32 to vector<16xi32>
    %mul3A_788 = arith.muli %add3A_785, %mul3A_787 : vector<16xi32>
    %add3A_789 = arith.addi %get3A_781, %mul3A_788 : vector<16xi32>
    %swap3A_790 = arith.constant 5 : i32
    %swap3A_791 = arith.index_cast %swap3A_790 : i32 to index
    %swap3A_792 = arith.constant 48 : index
    %swap3A_793 = tpu.vector_load %arg6[%swap3A_791, %swap3A_792] {strides = array<i32>} : memref<8x128xi32, #tpu.memory_space<vmem>>, vector<1x16xi32>,
    %swap3A_794 = vector.shape_cast %swap3A_793 : vector<1x16xi32> to vector<16xi32>
    %swap3A_795 = vector.shape_cast %add3A_789 : vector<16xi32> to vector<1x16xi32>
    tpu.vector_store %arg6[%swap3A_791, %swap3A_792], %swap3A_795 {strides = array<i32>} : memref<8x128xi32, #tpu.memory_space<vmem>>, vector<1x16xi32>,
    %get3A_796 = arith.constant 704 : index
    %get3A_797 = tpu.vector_load %arg5[%get3A_796] {strides = array<i32>} : memref<1024xi32, #tpu.memory_space<vmem>>, vector<16xi32>,
    %get3A_798 = vector.shape_cast %get3A_797 : vector<16xi32> to vector<16xi32>
    %add3A_799 = arith.constant 704 : i32
    %add3A_800 = arith.addi %mul3A_2, %add3A_799 : i32
    %add3A_801 = vector.broadcast %add3A_800 : i32 to vector<16xi32>
    %add3A_802 = arith.addi %add3A_801, %iota3A : vector<16xi32>
    %mul3A_803 = arith.constant 1024 : i32
    %mul3A_804 = vector.broadcast %mul3A_803 : i32 to vector<16xi32>
    %mul3A_805 = arith.muli %add3A_802, %mul3A_804 : vector<16xi32>
    %add3A_806 = arith.addi %get3A_798, %mul3A_805 : vector<16xi32>
    %swap3A_807 = arith.constant 5 : i32
    %swap3A_808 = arith.index_cast %swap3A_807 : i32 to index
    %swap3A_809 = arith.constant 64 : index
    %swap3A_810 = tpu.vector_load %arg6[%swap3A_808, %swap3A_809] {strides = array<i32>} : memref<8x128xi32, #tpu.memory_space<vmem>>, vector<1x16xi32>,
    %swap3A_811 = vector.shape_cast %swap3A_810 : vector<1x16xi32> to vector<16xi32>
    %swap3A_812 = vector.shape_cast %add3A_806 : vector<16xi32> to vector<1x16xi32>
    tpu.vector_store %arg6[%swap3A_808, %swap3A_809], %swap3A_812 {strides = array<i32>} : memref<8x128xi32, #tpu.memory_space<vmem>>, vector<1x16xi32>,
    %get3A_813 = arith.constant 720 : index
    %get3A_814 = tpu.vector_load %arg5[%get3A_813] {strides = array<i32>} : memref<1024xi32, #tpu.memory_space<vmem>>, vector<16xi32>,
    %get3A_815 = vector.shape_cast %get3A_814 : vector<16xi32> to vector<16xi32>
    %add3A_816 = arith.constant 720 : i32
    %add3A_817 = arith.addi %mul3A_2, %add3A_816 : i32
    %add3A_818 = vector.broadcast %add3A_817 : i32 to vector<16xi32>
    %add3A_819 = arith.addi %add3A_818, %iota3A : vector<16xi32>
    %mul3A_820 = arith.constant 1024 : i32
    %mul3A_821 = vector.broadcast %mul3A_820 : i32 to vector<16xi32>
    %mul3A_822 = arith.muli %add3A_819, %mul3A_821 : vector<16xi32>
    %add3A_823 = arith.addi %get3A_815, %mul3A_822 : vector<16xi32>
    %swap3A_824 = arith.constant 5 : i32
    %swap3A_825 = arith.index_cast %swap3A_824 : i32 to index
    %swap3A_826 = arith.constant 80 : index
    %swap3A_827 = tpu.vector_load %arg6[%swap3A_825, %swap3A_826] {strides = array<i32>} : memref<8x128xi32, #tpu.memory_space<vmem>>, vector<1x16xi32>,
    %swap3A_828 = vector.shape_cast %swap3A_827 : vector<1x16xi32> to vector<16xi32>
    %swap3A_829 = vector.shape_cast %add3A_823 : vector<16xi32> to vector<1x16xi32>
    tpu.vector_store %arg6[%swap3A_825, %swap3A_826], %swap3A_829 {strides = array<i32>} : memref<8x128xi32, #tpu.memory_space<vmem>>, vector<1x16xi32>,
    %get3A_830 = arith.constant 736 : index
    %get3A_831 = tpu.vector_load %arg5[%get3A_830] {strides = array<i32>} : memref<1024xi32, #tpu.memory_space<vmem>>, vector<16xi32>,
    %get3A_832 = vector.shape_cast %get3A_831 : vector<16xi32> to vector<16xi32>
    %add3A_833 = arith.constant 736 : i32
    %add3A_834 = arith.addi %mul3A_2, %add3A_833 : i32
    %add3A_835 = vector.broadcast %add3A_834 : i32 to vector<16xi32>
    %add3A_836 = arith.addi %add3A_835, %iota3A : vector<16xi32>
    %mul3A_837 = arith.constant 1024 : i32
    %mul3A_838 = vector.broadcast %mul3A_837 : i32 to vector<16xi32>
    %mul3A_839 = arith.muli %add3A_836, %mul3A_838 : vector<16xi32>
    %add3A_840 = arith.addi %get3A_832, %mul3A_839 : vector<16xi32>
    %swap3A_841 = arith.constant 5 : i32
    %swap3A_842 = arith.index_cast %swap3A_841 : i32 to index
    %swap3A_843 = arith.constant 96 : index
    %swap3A_844 = tpu.vector_load %arg6[%swap3A_842, %swap3A_843] {strides = array<i32>} : memref<8x128xi32, #tpu.memory_space<vmem>>, vector<1x16xi32>,
    %swap3A_845 = vector.shape_cast %swap3A_844 : vector<1x16xi32> to vector<16xi32>
    %swap3A_846 = vector.shape_cast %add3A_840 : vector<16xi32> to vector<1x16xi32>
    tpu.vector_store %arg6[%swap3A_842, %swap3A_843], %swap3A_846 {strides = array<i32>} : memref<8x128xi32, #tpu.memory_space<vmem>>, vector<1x16xi32>,
    %get3A_847 = arith.constant 752 : index
    %get3A_848 = tpu.vector_load %arg5[%get3A_847] {strides = array<i32>} : memref<1024xi32, #tpu.memory_space<vmem>>, vector<16xi32>,
    %get3A_849 = vector.shape_cast %get3A_848 : vector<16xi32> to vector<16xi32>
    %add3A_850 = arith.constant 752 : i32
    %add3A_851 = arith.addi %mul3A_2, %add3A_850 : i32
    %add3A_852 = vector.broadcast %add3A_851 : i32 to vector<16xi32>
    %add3A_853 = arith.addi %add3A_852, %iota3A : vector<16xi32>
    %mul3A_854 = arith.constant 1024 : i32
    %mul3A_855 = vector.broadcast %mul3A_854 : i32 to vector<16xi32>
    %mul3A_856 = arith.muli %add3A_853, %mul3A_855 : vector<16xi32>
    %add3A_857 = arith.addi %get3A_849, %mul3A_856 : vector<16xi32>
    %swap3A_858 = arith.constant 5 : i32
    %swap3A_859 = arith.index_cast %swap3A_858 : i32 to index
    %swap3A_860 = arith.constant 112 : index
    %swap3A_861 = tpu.vector_load %arg6[%swap3A_859, %swap3A_860] {strides = array<i32>} : memref<8x128xi32, #tpu.memory_space<vmem>>, vector<1x16xi32>,
    %swap3A_862 = vector.shape_cast %swap3A_861 : vector<1x16xi32> to vector<16xi32>
    %swap3A_863 = vector.shape_cast %add3A_857 : vector<16xi32> to vector<1x16xi32>
    tpu.vector_store %arg6[%swap3A_859, %swap3A_860], %swap3A_863 {strides = array<i32>} : memref<8x128xi32, #tpu.memory_space<vmem>>, vector<1x16xi32>,
    %get3A_864 = arith.constant 768 : index
    %get3A_865 = tpu.vector_load %arg5[%get3A_864] {strides = array<i32>} : memref<1024xi32, #tpu.memory_space<vmem>>, vector<16xi32>,
    %get3A_866 = vector.shape_cast %get3A_865 : vector<16xi32> to vector<16xi32>
    %add3A_867 = arith.constant 768 : i32
    %add3A_868 = arith.addi %mul3A_2, %add3A_867 : i32
    %add3A_869 = vector.broadcast %add3A_868 : i32 to vector<16xi32>
    %add3A_870 = arith.addi %add3A_869, %iota3A : vector<16xi32>
    %mul3A_871 = arith.constant 1024 : i32
    %mul3A_872 = vector.broadcast %mul3A_871 : i32 to vector<16xi32>
    %mul3A_873 = arith.muli %add3A_870, %mul3A_872 : vector<16xi32>
    %add3A_874 = arith.addi %get3A_866, %mul3A_873 : vector<16xi32>
    %swap3A_875 = arith.constant 6 : i32
    %swap3A_876 = arith.index_cast %swap3A_875 : i32 to index
    %swap3A_877 = arith.constant 0 : index
    %swap3A_878 = tpu.vector_load %arg6[%swap3A_876, %swap3A_877] {strides = array<i32>} : memref<8x128xi32, #tpu.memory_space<vmem>>, vector<1x16xi32>,
    %swap3A_879 = vector.shape_cast %swap3A_878 : vector<1x16xi32> to vector<16xi32>
    %swap3A_880 = vector.shape_cast %add3A_874 : vector<16xi32> to vector<1x16xi32>
    tpu.vector_store %arg6[%swap3A_876, %swap3A_877], %swap3A_880 {strides = array<i32>} : memref<8x128xi32, #tpu.memory_space<vmem>>, vector<1x16xi32>,
    %get3A_881 = arith.constant 784 : index
    %get3A_882 = tpu.vector_load %arg5[%get3A_881] {strides = array<i32>} : memref<1024xi32, #tpu.memory_space<vmem>>, vector<16xi32>,
    %get3A_883 = vector.shape_cast %get3A_882 : vector<16xi32> to vector<16xi32>
    %add3A_884 = arith.constant 784 : i32
    %add3A_885 = arith.addi %mul3A_2, %add3A_884 : i32
    %add3A_886 = vector.broadcast %add3A_885 : i32 to vector<16xi32>
    %add3A_887 = arith.addi %add3A_886, %iota3A : vector<16xi32>
    %mul3A_888 = arith.constant 1024 : i32
    %mul3A_889 = vector.broadcast %mul3A_888 : i32 to vector<16xi32>
    %mul3A_890 = arith.muli %add3A_887, %mul3A_889 : vector<16xi32>
    %add3A_891 = arith.addi %get3A_883, %mul3A_890 : vector<16xi32>
    %swap3A_892 = arith.constant 6 : i32
    %swap3A_893 = arith.index_cast %swap3A_892 : i32 to index
    %swap3A_894 = arith.constant 16 : index
    %swap3A_895 = tpu.vector_load %arg6[%swap3A_893, %swap3A_894] {strides = array<i32>} : memref<8x128xi32, #tpu.memory_space<vmem>>, vector<1x16xi32>,
    %swap3A_896 = vector.shape_cast %swap3A_895 : vector<1x16xi32> to vector<16xi32>
    %swap3A_897 = vector.shape_cast %add3A_891 : vector<16xi32> to vector<1x16xi32>
    tpu.vector_store %arg6[%swap3A_893, %swap3A_894], %swap3A_897 {strides = array<i32>} : memref<8x128xi32, #tpu.memory_space<vmem>>, vector<1x16xi32>,
    %get3A_898 = arith.constant 800 : index
    %get3A_899 = tpu.vector_load %arg5[%get3A_898] {strides = array<i32>} : memref<1024xi32, #tpu.memory_space<vmem>>, vector<16xi32>,
    %get3A_900 = vector.shape_cast %get3A_899 : vector<16xi32> to vector<16xi32>
    %add3A_901 = arith.constant 800 : i32
    %add3A_902 = arith.addi %mul3A_2, %add3A_901 : i32
    %add3A_903 = vector.broadcast %add3A_902 : i32 to vector<16xi32>
    %add3A_904 = arith.addi %add3A_903, %iota3A : vector<16xi32>
    %mul3A_905 = arith.constant 1024 : i32
    %mul3A_906 = vector.broadcast %mul3A_905 : i32 to vector<16xi32>
    %mul3A_907 = arith.muli %add3A_904, %mul3A_906 : vector<16xi32>
    %add3A_908 = arith.addi %get3A_900, %mul3A_907 : vector<16xi32>
    %swap3A_909 = arith.constant 6 : i32
    %swap3A_910 = arith.index_cast %swap3A_909 : i32 to index
    %swap3A_911 = arith.constant 32 : index
    %swap3A_912 = tpu.vector_load %arg6[%swap3A_910, %swap3A_911] {strides = array<i32>} : memref<8x128xi32, #tpu.memory_space<vmem>>, vector<1x16xi32>,
    %swap3A_913 = vector.shape_cast %swap3A_912 : vector<1x16xi32> to vector<16xi32>
    %swap3A_914 = vector.shape_cast %add3A_908 : vector<16xi32> to vector<1x16xi32>
    tpu.vector_store %arg6[%swap3A_910, %swap3A_911], %swap3A_914 {strides = array<i32>} : memref<8x128xi32, #tpu.memory_space<vmem>>, vector<1x16xi32>,
    %get3A_915 = arith.constant 816 : index
    %get3A_916 = tpu.vector_load %arg5[%get3A_915] {strides = array<i32>} : memref<1024xi32, #tpu.memory_space<vmem>>, vector<16xi32>,
    %get3A_917 = vector.shape_cast %get3A_916 : vector<16xi32> to vector<16xi32>
    %add3A_918 = arith.constant 816 : i32
    %add3A_919 = arith.addi %mul3A_2, %add3A_918 : i32
    %add3A_920 = vector.broadcast %add3A_919 : i32 to vector<16xi32>
    %add3A_921 = arith.addi %add3A_920, %iota3A : vector<16xi32>
    %mul3A_922 = arith.constant 1024 : i32
    %mul3A_923 = vector.broadcast %mul3A_922 : i32 to vector<16xi32>
    %mul3A_924 = arith.muli %add3A_921, %mul3A_923 : vector<16xi32>
    %add3A_925 = arith.addi %get3A_917, %mul3A_924 : vector<16xi32>
    %swap3A_926 = arith.constant 6 : i32
    %swap3A_927 = arith.index_cast %swap3A_926 : i32 to index
    %swap3A_928 = arith.constant 48 : index
    %swap3A_929 = tpu.vector_load %arg6[%swap3A_927, %swap3A_928] {strides = array<i32>} : memref<8x128xi32, #tpu.memory_space<vmem>>, vector<1x16xi32>,
    %swap3A_930 = vector.shape_cast %swap3A_929 : vector<1x16xi32> to vector<16xi32>
    %swap3A_931 = vector.shape_cast %add3A_925 : vector<16xi32> to vector<1x16xi32>
    tpu.vector_store %arg6[%swap3A_927, %swap3A_928], %swap3A_931 {strides = array<i32>} : memref<8x128xi32, #tpu.memory_space<vmem>>, vector<1x16xi32>,
    %get3A_932 = arith.constant 832 : index
    %get3A_933 = tpu.vector_load %arg5[%get3A_932] {strides = array<i32>} : memref<1024xi32, #tpu.memory_space<vmem>>, vector<16xi32>,
    %get3A_934 = vector.shape_cast %get3A_933 : vector<16xi32> to vector<16xi32>
    %add3A_935 = arith.constant 832 : i32
    %add3A_936 = arith.addi %mul3A_2, %add3A_935 : i32
    %add3A_937 = vector.broadcast %add3A_936 : i32 to vector<16xi32>
    %add3A_938 = arith.addi %add3A_937, %iota3A : vector<16xi32>
    %mul3A_939 = arith.constant 1024 : i32
    %mul3A_940 = vector.broadcast %mul3A_939 : i32 to vector<16xi32>
    %mul3A_941 = arith.muli %add3A_938, %mul3A_940 : vector<16xi32>
    %add3A_942 = arith.addi %get3A_934, %mul3A_941 : vector<16xi32>
    %swap3A_943 = arith.constant 6 : i32
    %swap3A_944 = arith.index_cast %swap3A_943 : i32 to index
    %swap3A_945 = arith.constant 64 : index
    %swap3A_946 = tpu.vector_load %arg6[%swap3A_944, %swap3A_945] {strides = array<i32>} : memref<8x128xi32, #tpu.memory_space<vmem>>, vector<1x16xi32>,
    %swap3A_947 = vector.shape_cast %swap3A_946 : vector<1x16xi32> to vector<16xi32>
    %swap3A_948 = vector.shape_cast %add3A_942 : vector<16xi32> to vector<1x16xi32>
    tpu.vector_store %arg6[%swap3A_944, %swap3A_945], %swap3A_948 {strides = array<i32>} : memref<8x128xi32, #tpu.memory_space<vmem>>, vector<1x16xi32>,
    %get3A_949 = arith.constant 848 : index
    %get3A_950 = tpu.vector_load %arg5[%get3A_949] {strides = array<i32>} : memref<1024xi32, #tpu.memory_space<vmem>>, vector<16xi32>,
    %get3A_951 = vector.shape_cast %get3A_950 : vector<16xi32> to vector<16xi32>
    %add3A_952 = arith.constant 848 : i32
    %add3A_953 = arith.addi %mul3A_2, %add3A_952 : i32
    %add3A_954 = vector.broadcast %add3A_953 : i32 to vector<16xi32>
    %add3A_955 = arith.addi %add3A_954, %iota3A : vector<16xi32>
    %mul3A_956 = arith.constant 1024 : i32
    %mul3A_957 = vector.broadcast %mul3A_956 : i32 to vector<16xi32>
    %mul3A_958 = arith.muli %add3A_955, %mul3A_957 : vector<16xi32>
    %add3A_959 = arith.addi %get3A_951, %mul3A_958 : vector<16xi32>
    %swap3A_960 = arith.constant 6 : i32
    %swap3A_961 = arith.index_cast %swap3A_960 : i32 to index
    %swap3A_962 = arith.constant 80 : index
    %swap3A_963 = tpu.vector_load %arg6[%swap3A_961, %swap3A_962] {strides = array<i32>} : memref<8x128xi32, #tpu.memory_space<vmem>>, vector<1x16xi32>,
    %swap3A_964 = vector.shape_cast %swap3A_963 : vector<1x16xi32> to vector<16xi32>
    %swap3A_965 = vector.shape_cast %add3A_959 : vector<16xi32> to vector<1x16xi32>
    tpu.vector_store %arg6[%swap3A_961, %swap3A_962], %swap3A_965 {strides = array<i32>} : memref<8x128xi32, #tpu.memory_space<vmem>>, vector<1x16xi32>,
    %get3A_966 = arith.constant 864 : index
    %get3A_967 = tpu.vector_load %arg5[%get3A_966] {strides = array<i32>} : memref<1024xi32, #tpu.memory_space<vmem>>, vector<16xi32>,
    %get3A_968 = vector.shape_cast %get3A_967 : vector<16xi32> to vector<16xi32>
    %add3A_969 = arith.constant 864 : i32
    %add3A_970 = arith.addi %mul3A_2, %add3A_969 : i32
    %add3A_971 = vector.broadcast %add3A_970 : i32 to vector<16xi32>
    %add3A_972 = arith.addi %add3A_971, %iota3A : vector<16xi32>
    %mul3A_973 = arith.constant 1024 : i32
    %mul3A_974 = vector.broadcast %mul3A_973 : i32 to vector<16xi32>
    %mul3A_975 = arith.muli %add3A_972, %mul3A_974 : vector<16xi32>
    %add3A_976 = arith.addi %get3A_968, %mul3A_975 : vector<16xi32>
    %swap3A_977 = arith.constant 6 : i32
    %swap3A_978 = arith.index_cast %swap3A_977 : i32 to index
    %swap3A_979 = arith.constant 96 : index
    %swap3A_980 = tpu.vector_load %arg6[%swap3A_978, %swap3A_979] {strides = array<i32>} : memref<8x128xi32, #tpu.memory_space<vmem>>, vector<1x16xi32>,
    %swap3A_981 = vector.shape_cast %swap3A_980 : vector<1x16xi32> to vector<16xi32>
    %swap3A_982 = vector.shape_cast %add3A_976 : vector<16xi32> to vector<1x16xi32>
    tpu.vector_store %arg6[%swap3A_978, %swap3A_979], %swap3A_982 {strides = array<i32>} : memref<8x128xi32, #tpu.memory_space<vmem>>, vector<1x16xi32>,
    %get3A_983 = arith.constant 880 : index
    %get3A_984 = tpu.vector_load %arg5[%get3A_983] {strides = array<i32>} : memref<1024xi32, #tpu.memory_space<vmem>>, vector<16xi32>,
    %get3A_985 = vector.shape_cast %get3A_984 : vector<16xi32> to vector<16xi32>
    %add3A_986 = arith.constant 880 : i32
    %add3A_987 = arith.addi %mul3A_2, %add3A_986 : i32
    %add3A_988 = vector.broadcast %add3A_987 : i32 to vector<16xi32>
    %add3A_989 = arith.addi %add3A_988, %iota3A : vector<16xi32>
    %mul3A_990 = arith.constant 1024 : i32
    %mul3A_991 = vector.broadcast %mul3A_990 : i32 to vector<16xi32>
    %mul3A_992 = arith.muli %add3A_989, %mul3A_991 : vector<16xi32>
    %add3A_993 = arith.addi %get3A_985, %mul3A_992 : vector<16xi32>
    %swap3A_994 = arith.constant 6 : i32
    %swap3A_995 = arith.index_cast %swap3A_994 : i32 to index
    %swap3A_996 = arith.constant 112 : index
    %swap3A_997 = tpu.vector_load %arg6[%swap3A_995, %swap3A_996] {strides = array<i32>} : memref<8x128xi32, #tpu.memory_space<vmem>>, vector<1x16xi32>,
    %swap3A_998 = vector.shape_cast %swap3A_997 : vector<1x16xi32> to vector<16xi32>
    %swap3A_999 = vector.shape_cast %add3A_993 : vector<16xi32> to vector<1x16xi32>
    tpu.vector_store %arg6[%swap3A_995, %swap3A_996], %swap3A_999 {strides = array<i32>} : memref<8x128xi32, #tpu.memory_space<vmem>>, vector<1x16xi32>,
    %get3A_1000 = arith.constant 896 : index
    %get3A_1001 = tpu.vector_load %arg5[%get3A_1000] {strides = array<i32>} : memref<1024xi32, #tpu.memory_space<vmem>>, vector<16xi32>,
    %get3A_1002 = vector.shape_cast %get3A_1001 : vector<16xi32> to vector<16xi32>
    %add3A_1003 = arith.constant 896 : i32
    %add3A_1004 = arith.addi %mul3A_2, %add3A_1003 : i32
    %add3A_1005 = vector.broadcast %add3A_1004 : i32 to vector<16xi32>
    %add3A_1006 = arith.addi %add3A_1005, %iota3A : vector<16xi32>
    %mul3A_1007 = arith.constant 1024 : i32
    %mul3A_1008 = vector.broadcast %mul3A_1007 : i32 to vector<16xi32>
    %mul3A_1009 = arith.muli %add3A_1006, %mul3A_1008 : vector<16xi32>
    %add3A_1010 = arith.addi %get3A_1002, %mul3A_1009 : vector<16xi32>
    %swap3A_1011 = arith.constant 7 : i32
    %swap3A_1012 = arith.index_cast %swap3A_1011 : i32 to index
    %swap3A_1013 = arith.constant 0 : index
    %swap3A_1014 = tpu.vector_load %arg6[%swap3A_1012, %swap3A_1013] {strides = array<i32>} : memref<8x128xi32, #tpu.memory_space<vmem>>, vector<1x16xi32>,
    %swap3A_1015 = vector.shape_cast %swap3A_1014 : vector<1x16xi32> to vector<16xi32>
    %swap3A_1016 = vector.shape_cast %add3A_1010 : vector<16xi32> to vector<1x16xi32>
    tpu.vector_store %arg6[%swap3A_1012, %swap3A_1013], %swap3A_1016 {strides = array<i32>} : memref<8x128xi32, #tpu.memory_space<vmem>>, vector<1x16xi32>,
    %get3A_1017 = arith.constant 912 : index
    %get3A_1018 = tpu.vector_load %arg5[%get3A_1017] {strides = array<i32>} : memref<1024xi32, #tpu.memory_space<vmem>>, vector<16xi32>,
    %get3A_1019 = vector.shape_cast %get3A_1018 : vector<16xi32> to vector<16xi32>
    %add3A_1020 = arith.constant 912 : i32
    %add3A_1021 = arith.addi %mul3A_2, %add3A_1020 : i32
    %add3A_1022 = vector.broadcast %add3A_1021 : i32 to vector<16xi32>
    %add3A_1023 = arith.addi %add3A_1022, %iota3A : vector<16xi32>
    %mul3A_1024 = arith.constant 1024 : i32
    %mul3A_1025 = vector.broadcast %mul3A_1024 : i32 to vector<16xi32>
    %mul3A_1026 = arith.muli %add3A_1023, %mul3A_1025 : vector<16xi32>
    %add3A_1027 = arith.addi %get3A_1019, %mul3A_1026 : vector<16xi32>
    %swap3A_1028 = arith.constant 7 : i32
    %swap3A_1029 = arith.index_cast %swap3A_1028 : i32 to index
    %swap3A_1030 = arith.constant 16 : index
    %swap3A_1031 = tpu.vector_load %arg6[%swap3A_1029, %swap3A_1030] {strides = array<i32>} : memref<8x128xi32, #tpu.memory_space<vmem>>, vector<1x16xi32>,
    %swap3A_1032 = vector.shape_cast %swap3A_1031 : vector<1x16xi32> to vector<16xi32>
    %swap3A_1033 = vector.shape_cast %add3A_1027 : vector<16xi32> to vector<1x16xi32>
    tpu.vector_store %arg6[%swap3A_1029, %swap3A_1030], %swap3A_1033 {strides = array<i32>} : memref<8x128xi32, #tpu.memory_space<vmem>>, vector<1x16xi32>,
    %get3A_1034 = arith.constant 928 : index
    %get3A_1035 = tpu.vector_load %arg5[%get3A_1034] {strides = array<i32>} : memref<1024xi32, #tpu.memory_space<vmem>>, vector<16xi32>,
    %get3A_1036 = vector.shape_cast %get3A_1035 : vector<16xi32> to vector<16xi32>
    %add3A_1037 = arith.constant 928 : i32
    %add3A_1038 = arith.addi %mul3A_2, %add3A_1037 : i32
    %add3A_1039 = vector.broadcast %add3A_1038 : i32 to vector<16xi32>
    %add3A_1040 = arith.addi %add3A_1039, %iota3A : vector<16xi32>
    %mul3A_1041 = arith.constant 1024 : i32
    %mul3A_1042 = vector.broadcast %mul3A_1041 : i32 to vector<16xi32>
    %mul3A_1043 = arith.muli %add3A_1040, %mul3A_1042 : vector<16xi32>
    %add3A_1044 = arith.addi %get3A_1036, %mul3A_1043 : vector<16xi32>
    %swap3A_1045 = arith.constant 7 : i32
    %swap3A_1046 = arith.index_cast %swap3A_1045 : i32 to index
    %swap3A_1047 = arith.constant 32 : index
    %swap3A_1048 = tpu.vector_load %arg6[%swap3A_1046, %swap3A_1047] {strides = array<i32>} : memref<8x128xi32, #tpu.memory_space<vmem>>, vector<1x16xi32>,
    %swap3A_1049 = vector.shape_cast %swap3A_1048 : vector<1x16xi32> to vector<16xi32>
    %swap3A_1050 = vector.shape_cast %add3A_1044 : vector<16xi32> to vector<1x16xi32>
    tpu.vector_store %arg6[%swap3A_1046, %swap3A_1047], %swap3A_1050 {strides = array<i32>} : memref<8x128xi32, #tpu.memory_space<vmem>>, vector<1x16xi32>,
    %get3A_1051 = arith.constant 944 : index
    %get3A_1052 = tpu.vector_load %arg5[%get3A_1051] {strides = array<i32>} : memref<1024xi32, #tpu.memory_space<vmem>>, vector<16xi32>,
    %get3A_1053 = vector.shape_cast %get3A_1052 : vector<16xi32> to vector<16xi32>
    %add3A_1054 = arith.constant 944 : i32
    %add3A_1055 = arith.addi %mul3A_2, %add3A_1054 : i32
    %add3A_1056 = vector.broadcast %add3A_1055 : i32 to vector<16xi32>
    %add3A_1057 = arith.addi %add3A_1056, %iota3A : vector<16xi32>
    %mul3A_1058 = arith.constant 1024 : i32
    %mul3A_1059 = vector.broadcast %mul3A_1058 : i32 to vector<16xi32>
    %mul3A_1060 = arith.muli %add3A_1057, %mul3A_1059 : vector<16xi32>
    %add3A_1061 = arith.addi %get3A_1053, %mul3A_1060 : vector<16xi32>
    %swap3A_1062 = arith.constant 7 : i32
    %swap3A_1063 = arith.index_cast %swap3A_1062 : i32 to index
    %swap3A_1064 = arith.constant 48 : index
    %swap3A_1065 = tpu.vector_load %arg6[%swap3A_1063, %swap3A_1064] {strides = array<i32>} : memref<8x128xi32, #tpu.memory_space<vmem>>, vector<1x16xi32>,
    %swap3A_1066 = vector.shape_cast %swap3A_1065 : vector<1x16xi32> to vector<16xi32>
    %swap3A_1067 = vector.shape_cast %add3A_1061 : vector<16xi32> to vector<1x16xi32>
    tpu.vector_store %arg6[%swap3A_1063, %swap3A_1064], %swap3A_1067 {strides = array<i32>} : memref<8x128xi32, #tpu.memory_space<vmem>>, vector<1x16xi32>,
    %get3A_1068 = arith.constant 960 : index
    %get3A_1069 = tpu.vector_load %arg5[%get3A_1068] {strides = array<i32>} : memref<1024xi32, #tpu.memory_space<vmem>>, vector<16xi32>,
    %get3A_1070 = vector.shape_cast %get3A_1069 : vector<16xi32> to vector<16xi32>
    %add3A_1071 = arith.constant 960 : i32
    %add3A_1072 = arith.addi %mul3A_2, %add3A_1071 : i32
    %add3A_1073 = vector.broadcast %add3A_1072 : i32 to vector<16xi32>
    %add3A_1074 = arith.addi %add3A_1073, %iota3A : vector<16xi32>
    %mul3A_1075 = arith.constant 1024 : i32
    %mul3A_1076 = vector.broadcast %mul3A_1075 : i32 to vector<16xi32>
    %mul3A_1077 = arith.muli %add3A_1074, %mul3A_1076 : vector<16xi32>
    %add3A_1078 = arith.addi %get3A_1070, %mul3A_1077 : vector<16xi32>
    %swap3A_1079 = arith.constant 7 : i32
    %swap3A_1080 = arith.index_cast %swap3A_1079 : i32 to index
    %swap3A_1081 = arith.constant 64 : index
    %swap3A_1082 = tpu.vector_load %arg6[%swap3A_1080, %swap3A_1081] {strides = array<i32>} : memref<8x128xi32, #tpu.memory_space<vmem>>, vector<1x16xi32>,
    %swap3A_1083 = vector.shape_cast %swap3A_1082 : vector<1x16xi32> to vector<16xi32>
    %swap3A_1084 = vector.shape_cast %add3A_1078 : vector<16xi32> to vector<1x16xi32>
    tpu.vector_store %arg6[%swap3A_1080, %swap3A_1081], %swap3A_1084 {strides = array<i32>} : memref<8x128xi32, #tpu.memory_space<vmem>>, vector<1x16xi32>,
    %get3A_1085 = arith.constant 976 : index
    %get3A_1086 = tpu.vector_load %arg5[%get3A_1085] {strides = array<i32>} : memref<1024xi32, #tpu.memory_space<vmem>>, vector<16xi32>,
    %get3A_1087 = vector.shape_cast %get3A_1086 : vector<16xi32> to vector<16xi32>
    %add3A_1088 = arith.constant 976 : i32
    %add3A_1089 = arith.addi %mul3A_2, %add3A_1088 : i32
    %add3A_1090 = vector.broadcast %add3A_1089 : i32 to vector<16xi32>
    %add3A_1091 = arith.addi %add3A_1090, %iota3A : vector<16xi32>
    %mul3A_1092 = arith.constant 1024 : i32
    %mul3A_1093 = vector.broadcast %mul3A_1092 : i32 to vector<16xi32>
    %mul3A_1094 = arith.muli %add3A_1091, %mul3A_1093 : vector<16xi32>
    %add3A_1095 = arith.addi %get3A_1087, %mul3A_1094 : vector<16xi32>
    %swap3A_1096 = arith.constant 7 : i32
    %swap3A_1097 = arith.index_cast %swap3A_1096 : i32 to index
    %swap3A_1098 = arith.constant 80 : index
    %swap3A_1099 = tpu.vector_load %arg6[%swap3A_1097, %swap3A_1098] {strides = array<i32>} : memref<8x128xi32, #tpu.memory_space<vmem>>, vector<1x16xi32>,
    %swap3A_1100 = vector.shape_cast %swap3A_1099 : vector<1x16xi32> to vector<16xi32>
    %swap3A_1101 = vector.shape_cast %add3A_1095 : vector<16xi32> to vector<1x16xi32>
    tpu.vector_store %arg6[%swap3A_1097, %swap3A_1098], %swap3A_1101 {strides = array<i32>} : memref<8x128xi32, #tpu.memory_space<vmem>>, vector<1x16xi32>,
    %get3A_1102 = arith.constant 992 : index
    %get3A_1103 = tpu.vector_load %arg5[%get3A_1102] {strides = array<i32>} : memref<1024xi32, #tpu.memory_space<vmem>>, vector<16xi32>,
    %get3A_1104 = vector.shape_cast %get3A_1103 : vector<16xi32> to vector<16xi32>
    %add3A_1105 = arith.constant 992 : i32
    %add3A_1106 = arith.addi %mul3A_2, %add3A_1105 : i32
    %add3A_1107 = vector.broadcast %add3A_1106 : i32 to vector<16xi32>
    %add3A_1108 = arith.addi %add3A_1107, %iota3A : vector<16xi32>
    %mul3A_1109 = arith.constant 1024 : i32
    %mul3A_1110 = vector.broadcast %mul3A_1109 : i32 to vector<16xi32>
    %mul3A_1111 = arith.muli %add3A_1108, %mul3A_1110 : vector<16xi32>
    %add3A_1112 = arith.addi %get3A_1104, %mul3A_1111 : vector<16xi32>
    %swap3A_1113 = arith.constant 7 : i32
    %swap3A_1114 = arith.index_cast %swap3A_1113 : i32 to index
    %swap3A_1115 = arith.constant 96 : index
    %swap3A_1116 = tpu.vector_load %arg6[%swap3A_1114, %swap3A_1115] {strides = array<i32>} : memref<8x128xi32, #tpu.memory_space<vmem>>, vector<1x16xi32>,
    %swap3A_1117 = vector.shape_cast %swap3A_1116 : vector<1x16xi32> to vector<16xi32>
    %swap3A_1118 = vector.shape_cast %add3A_1112 : vector<16xi32> to vector<1x16xi32>
    tpu.vector_store %arg6[%swap3A_1114, %swap3A_1115], %swap3A_1118 {strides = array<i32>} : memref<8x128xi32, #tpu.memory_space<vmem>>, vector<1x16xi32>,
    %get3A_1119 = arith.constant 1008 : index
    %get3A_1120 = tpu.vector_load %arg5[%get3A_1119] {strides = array<i32>} : memref<1024xi32, #tpu.memory_space<vmem>>, vector<16xi32>,
    %get3A_1121 = vector.shape_cast %get3A_1120 : vector<16xi32> to vector<16xi32>
    %add3A_1122 = arith.constant 1008 : i32
    %add3A_1123 = arith.addi %mul3A_2, %add3A_1122 : i32
    %add3A_1124 = vector.broadcast %add3A_1123 : i32 to vector<16xi32>
    %add3A_1125 = arith.addi %add3A_1124, %iota3A : vector<16xi32>
    %mul3A_1126 = arith.constant 1024 : i32
    %mul3A_1127 = vector.broadcast %mul3A_1126 : i32 to vector<16xi32>
    %mul3A_1128 = arith.muli %add3A_1125, %mul3A_1127 : vector<16xi32>
    %add3A_1129 = arith.addi %get3A_1121, %mul3A_1128 : vector<16xi32>
    %swap3A_1130 = arith.constant 7 : i32
    %swap3A_1131 = arith.index_cast %swap3A_1130 : i32 to index
    %swap3A_1132 = arith.constant 112 : index
    %swap3A_1133 = tpu.vector_load %arg6[%swap3A_1131, %swap3A_1132] {strides = array<i32>} : memref<8x128xi32, #tpu.memory_space<vmem>>, vector<1x16xi32>,
    %swap3A_1134 = vector.shape_cast %swap3A_1133 : vector<1x16xi32> to vector<16xi32>
    %swap3A_1135 = vector.shape_cast %add3A_1129 : vector<16xi32> to vector<1x16xi32>
    tpu.vector_store %arg6[%swap3A_1131, %swap3A_1132], %swap3A_1135 {strides = array<i32>} : memref<8x128xi32, #tpu.memory_space<vmem>>, vector<1x16xi32>,
    %dma_start3A = arith.constant 0 : i32
    %dma_start3A_1136 = arith.constant 0 : i32
    %dma_start3A_1137 = tpu.memref_slice %arg6[%dma_start3A, %dma_start3A_1136] : memref<8x128xi32, #tpu.memory_space<vmem>> -> memref<1x128xi32, #tpu.memory_space<vmem>>
    %dma_start3A_1138 = tpu.memref_squeeze %dma_start3A_1137 : memref<1x128xi32, #tpu.memory_space<vmem>> -> memref<128xi32, #tpu.memory_space<vmem>>
    %dma_start3A_1139 = arith.constant 0 : i32
    %dma_start3A_1140 = tpu.memref_slice %arg2[%dma_start3A_1139] : memref<33554432xf32, #tpu.memory_space<hbm>> -> memref<33554432xf32, #tpu.memory_space<hbm>>
    tpu.enqueue_indirect_dma source(%arg7 : memref<128xf32, #tpu.memory_space<vmem>>) target(%dma_start3A_1140 : memref<33554432xf32, #tpu.memory_space<hbm>>) offsets(%dma_start3A_1138 : memref<128xi32, #tpu.memory_space<vmem>>) semaphore(%arg8 : memref<!tpu.dma_semaphore, #tpu.memory_space<semaphore_mem>>)
    %dma_start3A_1141 = arith.constant 1 : i32
    %dma_start3A_1142 = arith.constant 0 : i32
    %dma_start3A_1143 = tpu.memref_slice %arg6[%dma_start3A_1141, %dma_start3A_1142] : memref<8x128xi32, #tpu.memory_space<vmem>> -> memref<1x128xi32, #tpu.memory_space<vmem>>
    %dma_start3A_1144 = tpu.memref_squeeze %dma_start3A_1143 : memref<1x128xi32, #tpu.memory_space<vmem>> -> memref<128xi32, #tpu.memory_space<vmem>>
    %dma_start3A_1145 = arith.constant 0 : i32
    %dma_start3A_1146 = tpu.memref_slice %arg2[%dma_start3A_1145] : memref<33554432xf32, #tpu.memory_space<hbm>> -> memref<33554432xf32, #tpu.memory_space<hbm>>
    tpu.enqueue_indirect_dma source(%arg7 : memref<128xf32, #tpu.memory_space<vmem>>) target(%dma_start3A_1146 : memref<33554432xf32, #tpu.memory_space<hbm>>) offsets(%dma_start3A_1144 : memref<128xi32, #tpu.memory_space<vmem>>) semaphore(%arg8 : memref<!tpu.dma_semaphore, #tpu.memory_space<semaphore_mem>>)
    %dma_start3A_1147 = arith.constant 2 : i32
    %dma_start3A_1148 = arith.constant 0 : i32
    %dma_start3A_1149 = tpu.memref_slice %arg6[%dma_start3A_1147, %dma_start3A_1148] : memref<8x128xi32, #tpu.memory_space<vmem>> -> memref<1x128xi32, #tpu.memory_space<vmem>>
    %dma_start3A_1150 = tpu.memref_squeeze %dma_start3A_1149 : memref<1x128xi32, #tpu.memory_space<vmem>> -> memref<128xi32, #tpu.memory_space<vmem>>
    %dma_start3A_1151 = arith.constant 0 : i32
    %dma_start3A_1152 = tpu.memref_slice %arg2[%dma_start3A_1151] : memref<33554432xf32, #tpu.memory_space<hbm>> -> memref<33554432xf32, #tpu.memory_space<hbm>>
    tpu.enqueue_indirect_dma source(%arg7 : memref<128xf32, #tpu.memory_space<vmem>>) target(%dma_start3A_1152 : memref<33554432xf32, #tpu.memory_space<hbm>>) offsets(%dma_start3A_1150 : memref<128xi32, #tpu.memory_space<vmem>>) semaphore(%arg8 : memref<!tpu.dma_semaphore, #tpu.memory_space<semaphore_mem>>)
    %dma_start3A_1153 = arith.constant 3 : i32
    %dma_start3A_1154 = arith.constant 0 : i32
    %dma_start3A_1155 = tpu.memref_slice %arg6[%dma_start3A_1153, %dma_start3A_1154] : memref<8x128xi32, #tpu.memory_space<vmem>> -> memref<1x128xi32, #tpu.memory_space<vmem>>
    %dma_start3A_1156 = tpu.memref_squeeze %dma_start3A_1155 : memref<1x128xi32, #tpu.memory_space<vmem>> -> memref<128xi32, #tpu.memory_space<vmem>>
    %dma_start3A_1157 = arith.constant 0 : i32
    %dma_start3A_1158 = tpu.memref_slice %arg2[%dma_start3A_1157] : memref<33554432xf32, #tpu.memory_space<hbm>> -> memref<33554432xf32, #tpu.memory_space<hbm>>
    tpu.enqueue_indirect_dma source(%arg7 : memref<128xf32, #tpu.memory_space<vmem>>) target(%dma_start3A_1158 : memref<33554432xf32, #tpu.memory_space<hbm>>) offsets(%dma_start3A_1156 : memref<128xi32, #tpu.memory_space<vmem>>) semaphore(%arg8 : memref<!tpu.dma_semaphore, #tpu.memory_space<semaphore_mem>>)
    %dma_start3A_1159 = arith.constant 4 : i32
    %dma_start3A_1160 = arith.constant 0 : i32
    %dma_start3A_1161 = tpu.memref_slice %arg6[%dma_start3A_1159, %dma_start3A_1160] : memref<8x128xi32, #tpu.memory_space<vmem>> -> memref<1x128xi32, #tpu.memory_space<vmem>>
    %dma_start3A_1162 = tpu.memref_squeeze %dma_start3A_1161 : memref<1x128xi32, #tpu.memory_space<vmem>> -> memref<128xi32, #tpu.memory_space<vmem>>
    %dma_start3A_1163 = arith.constant 0 : i32
    %dma_start3A_1164 = tpu.memref_slice %arg2[%dma_start3A_1163] : memref<33554432xf32, #tpu.memory_space<hbm>> -> memref<33554432xf32, #tpu.memory_space<hbm>>
    tpu.enqueue_indirect_dma source(%arg7 : memref<128xf32, #tpu.memory_space<vmem>>) target(%dma_start3A_1164 : memref<33554432xf32, #tpu.memory_space<hbm>>) offsets(%dma_start3A_1162 : memref<128xi32, #tpu.memory_space<vmem>>) semaphore(%arg8 : memref<!tpu.dma_semaphore, #tpu.memory_space<semaphore_mem>>)
    %dma_start3A_1165 = arith.constant 5 : i32
    %dma_start3A_1166 = arith.constant 0 : i32
    %dma_start3A_1167 = tpu.memref_slice %arg6[%dma_start3A_1165, %dma_start3A_1166] : memref<8x128xi32, #tpu.memory_space<vmem>> -> memref<1x128xi32, #tpu.memory_space<vmem>>
    %dma_start3A_1168 = tpu.memref_squeeze %dma_start3A_1167 : memref<1x128xi32, #tpu.memory_space<vmem>> -> memref<128xi32, #tpu.memory_space<vmem>>
    %dma_start3A_1169 = arith.constant 0 : i32
    %dma_start3A_1170 = tpu.memref_slice %arg2[%dma_start3A_1169] : memref<33554432xf32, #tpu.memory_space<hbm>> -> memref<33554432xf32, #tpu.memory_space<hbm>>
    tpu.enqueue_indirect_dma source(%arg7 : memref<128xf32, #tpu.memory_space<vmem>>) target(%dma_start3A_1170 : memref<33554432xf32, #tpu.memory_space<hbm>>) offsets(%dma_start3A_1168 : memref<128xi32, #tpu.memory_space<vmem>>) semaphore(%arg8 : memref<!tpu.dma_semaphore, #tpu.memory_space<semaphore_mem>>)
    %dma_start3A_1171 = arith.constant 6 : i32
    %dma_start3A_1172 = arith.constant 0 : i32
    %dma_start3A_1173 = tpu.memref_slice %arg6[%dma_start3A_1171, %dma_start3A_1172] : memref<8x128xi32, #tpu.memory_space<vmem>> -> memref<1x128xi32, #tpu.memory_space<vmem>>
    %dma_start3A_1174 = tpu.memref_squeeze %dma_start3A_1173 : memref<1x128xi32, #tpu.memory_space<vmem>> -> memref<128xi32, #tpu.memory_space<vmem>>
    %dma_start3A_1175 = arith.constant 0 : i32
    %dma_start3A_1176 = tpu.memref_slice %arg2[%dma_start3A_1175] : memref<33554432xf32, #tpu.memory_space<hbm>> -> memref<33554432xf32, #tpu.memory_space<hbm>>
    tpu.enqueue_indirect_dma source(%arg7 : memref<128xf32, #tpu.memory_space<vmem>>) target(%dma_start3A_1176 : memref<33554432xf32, #tpu.memory_space<hbm>>) offsets(%dma_start3A_1174 : memref<128xi32, #tpu.memory_space<vmem>>) semaphore(%arg8 : memref<!tpu.dma_semaphore, #tpu.memory_space<semaphore_mem>>)
    %dma_start3A_1177 = arith.constant 7 : i32
    %dma_start3A_1178 = arith.constant 0 : i32
    %dma_start3A_1179 = tpu.memref_slice %arg6[%dma_start3A_1177, %dma_start3A_1178] : memref<8x128xi32, #tpu.memory_space<vmem>> -> memref<1x128xi32, #tpu.memory_space<vmem>>
    %dma_start3A_1180 = tpu.memref_squeeze %dma_start3A_1179 : memref<1x128xi32, #tpu.memory_space<vmem>> -> memref<128xi32, #tpu.memory_space<vmem>>
    %dma_start3A_1181 = arith.constant 0 : i32
    %dma_start3A_1182 = tpu.memref_slice %arg2[%dma_start3A_1181] : memref<33554432xf32, #tpu.memory_space<hbm>> -> memref<33554432xf32, #tpu.memory_space<hbm>>
    tpu.enqueue_indirect_dma source(%arg7 : memref<128xf32, #tpu.memory_space<vmem>>) target(%dma_start3A_1182 : memref<33554432xf32, #tpu.memory_space<hbm>>) offsets(%dma_start3A_1180 : memref<128xi32, #tpu.memory_space<vmem>>) semaphore(%arg8 : memref<!tpu.dma_semaphore, #tpu.memory_space<semaphore_mem>>)
    %dma_wait3A = arith.constant 0 : i32
    %dma_wait3A_1183 = arith.constant 0 : i32
    %dma_wait3A_1184 = tpu.memref_slice %arg6[%dma_wait3A, %dma_wait3A_1183] : memref<8x128xi32, #tpu.memory_space<vmem>> -> memref<1x128xi32, #tpu.memory_space<vmem>>
    %dma_wait3A_1185 = tpu.memref_squeeze %dma_wait3A_1184 : memref<1x128xi32, #tpu.memory_space<vmem>> -> memref<128xi32, #tpu.memory_space<vmem>>
    %dma_wait3A_1186 = arith.constant 0 : i32
    %dma_wait3A_1187 = tpu.memref_slice %arg2[%dma_wait3A_1186] : memref<33554432xf32, #tpu.memory_space<hbm>> -> memref<33554432xf32, #tpu.memory_space<hbm>>
    tpu.wait_indirect_dma semaphore(%arg8 : memref<!tpu.dma_semaphore, #tpu.memory_space<semaphore_mem>>) src(%arg7 : memref<128xf32, #tpu.memory_space<vmem>>) dst(%dma_wait3A_1187 : memref<33554432xf32, #tpu.memory_space<hbm>>)
    %dma_wait3A_1188 = arith.constant 1 : i32
    %dma_wait3A_1189 = arith.constant 0 : i32
    %dma_wait3A_1190 = tpu.memref_slice %arg6[%dma_wait3A_1188, %dma_wait3A_1189] : memref<8x128xi32, #tpu.memory_space<vmem>> -> memref<1x128xi32, #tpu.memory_space<vmem>>
    %dma_wait3A_1191 = tpu.memref_squeeze %dma_wait3A_1190 : memref<1x128xi32, #tpu.memory_space<vmem>> -> memref<128xi32, #tpu.memory_space<vmem>>
    %dma_wait3A_1192 = arith.constant 0 : i32
    %dma_wait3A_1193 = tpu.memref_slice %arg2[%dma_wait3A_1192] : memref<33554432xf32, #tpu.memory_space<hbm>> -> memref<33554432xf32, #tpu.memory_space<hbm>>
    tpu.wait_indirect_dma semaphore(%arg8 : memref<!tpu.dma_semaphore, #tpu.memory_space<semaphore_mem>>) src(%arg7 : memref<128xf32, #tpu.memory_space<vmem>>) dst(%dma_wait3A_1193 : memref<33554432xf32, #tpu.memory_space<hbm>>)
    %dma_wait3A_1194 = arith.constant 2 : i32
    %dma_wait3A_1195 = arith.constant 0 : i32
    %dma_wait3A_1196 = tpu.memref_slice %arg6[%dma_wait3A_1194, %dma_wait3A_1195] : memref<8x128xi32, #tpu.memory_space<vmem>> -> memref<1x128xi32, #tpu.memory_space<vmem>>
    %dma_wait3A_1197 = tpu.memref_squeeze %dma_wait3A_1196 : memref<1x128xi32, #tpu.memory_space<vmem>> -> memref<128xi32, #tpu.memory_space<vmem>>
    %dma_wait3A_1198 = arith.constant 0 : i32
    %dma_wait3A_1199 = tpu.memref_slice %arg2[%dma_wait3A_1198] : memref<33554432xf32, #tpu.memory_space<hbm>> -> memref<33554432xf32, #tpu.memory_space<hbm>>
    tpu.wait_indirect_dma semaphore(%arg8 : memref<!tpu.dma_semaphore, #tpu.memory_space<semaphore_mem>>) src(%arg7 : memref<128xf32, #tpu.memory_space<vmem>>) dst(%dma_wait3A_1199 : memref<33554432xf32, #tpu.memory_space<hbm>>)
    %dma_wait3A_1200 = arith.constant 3 : i32
    %dma_wait3A_1201 = arith.constant 0 : i32
    %dma_wait3A_1202 = tpu.memref_slice %arg6[%dma_wait3A_1200, %dma_wait3A_1201] : memref<8x128xi32, #tpu.memory_space<vmem>> -> memref<1x128xi32, #tpu.memory_space<vmem>>
    %dma_wait3A_1203 = tpu.memref_squeeze %dma_wait3A_1202 : memref<1x128xi32, #tpu.memory_space<vmem>> -> memref<128xi32, #tpu.memory_space<vmem>>
    %dma_wait3A_1204 = arith.constant 0 : i32
    %dma_wait3A_1205 = tpu.memref_slice %arg2[%dma_wait3A_1204] : memref<33554432xf32, #tpu.memory_space<hbm>> -> memref<33554432xf32, #tpu.memory_space<hbm>>
    tpu.wait_indirect_dma semaphore(%arg8 : memref<!tpu.dma_semaphore, #tpu.memory_space<semaphore_mem>>) src(%arg7 : memref<128xf32, #tpu.memory_space<vmem>>) dst(%dma_wait3A_1205 : memref<33554432xf32, #tpu.memory_space<hbm>>)
    %dma_wait3A_1206 = arith.constant 4 : i32
    %dma_wait3A_1207 = arith.constant 0 : i32
    %dma_wait3A_1208 = tpu.memref_slice %arg6[%dma_wait3A_1206, %dma_wait3A_1207] : memref<8x128xi32, #tpu.memory_space<vmem>> -> memref<1x128xi32, #tpu.memory_space<vmem>>
    %dma_wait3A_1209 = tpu.memref_squeeze %dma_wait3A_1208 : memref<1x128xi32, #tpu.memory_space<vmem>> -> memref<128xi32, #tpu.memory_space<vmem>>
    %dma_wait3A_1210 = arith.constant 0 : i32
    %dma_wait3A_1211 = tpu.memref_slice %arg2[%dma_wait3A_1210] : memref<33554432xf32, #tpu.memory_space<hbm>> -> memref<33554432xf32, #tpu.memory_space<hbm>>
    tpu.wait_indirect_dma semaphore(%arg8 : memref<!tpu.dma_semaphore, #tpu.memory_space<semaphore_mem>>) src(%arg7 : memref<128xf32, #tpu.memory_space<vmem>>) dst(%dma_wait3A_1211 : memref<33554432xf32, #tpu.memory_space<hbm>>)
    %dma_wait3A_1212 = arith.constant 5 : i32
    %dma_wait3A_1213 = arith.constant 0 : i32
    %dma_wait3A_1214 = tpu.memref_slice %arg6[%dma_wait3A_1212, %dma_wait3A_1213] : memref<8x128xi32, #tpu.memory_space<vmem>> -> memref<1x128xi32, #tpu.memory_space<vmem>>
    %dma_wait3A_1215 = tpu.memref_squeeze %dma_wait3A_1214 : memref<1x128xi32, #tpu.memory_space<vmem>> -> memref<128xi32, #tpu.memory_space<vmem>>
    %dma_wait3A_1216 = arith.constant 0 : i32
    %dma_wait3A_1217 = tpu.memref_slice %arg2[%dma_wait3A_1216] : memref<33554432xf32, #tpu.memory_space<hbm>> -> memref<33554432xf32, #tpu.memory_space<hbm>>
    tpu.wait_indirect_dma semaphore(%arg8 : memref<!tpu.dma_semaphore, #tpu.memory_space<semaphore_mem>>) src(%arg7 : memref<128xf32, #tpu.memory_space<vmem>>) dst(%dma_wait3A_1217 : memref<33554432xf32, #tpu.memory_space<hbm>>)
    %dma_wait3A_1218 = arith.constant 6 : i32
    %dma_wait3A_1219 = arith.constant 0 : i32
    %dma_wait3A_1220 = tpu.memref_slice %arg6[%dma_wait3A_1218, %dma_wait3A_1219] : memref<8x128xi32, #tpu.memory_space<vmem>> -> memref<1x128xi32, #tpu.memory_space<vmem>>
    %dma_wait3A_1221 = tpu.memref_squeeze %dma_wait3A_1220 : memref<1x128xi32, #tpu.memory_space<vmem>> -> memref<128xi32, #tpu.memory_space<vmem>>
    %dma_wait3A_1222 = arith.constant 0 : i32
    %dma_wait3A_1223 = tpu.memref_slice %arg2[%dma_wait3A_1222] : memref<33554432xf32, #tpu.memory_space<hbm>> -> memref<33554432xf32, #tpu.memory_space<hbm>>
    tpu.wait_indirect_dma semaphore(%arg8 : memref<!tpu.dma_semaphore, #tpu.memory_space<semaphore_mem>>) src(%arg7 : memref<128xf32, #tpu.memory_space<vmem>>) dst(%dma_wait3A_1223 : memref<33554432xf32, #tpu.memory_space<hbm>>)
    %dma_wait3A_1224 = arith.constant 7 : i32
    %dma_wait3A_1225 = arith.constant 0 : i32
    %dma_wait3A_1226 = tpu.memref_slice %arg6[%dma_wait3A_1224, %dma_wait3A_1225] : memref<8x128xi32, #tpu.memory_space<vmem>> -> memref<1x128xi32, #tpu.memory_space<vmem>>
    %dma_wait3A_1227 = tpu.memref_squeeze %dma_wait3A_1226 : memref<1x128xi32, #tpu.memory_space<vmem>> -> memref<128xi32, #tpu.memory_space<vmem>>
    %dma_wait3A_1228 = arith.constant 0 : i32
    %dma_wait3A_1229 = tpu.memref_slice %arg2[%dma_wait3A_1228] : memref<33554432xf32, #tpu.memory_space<hbm>> -> memref<33554432xf32, #tpu.memory_space<hbm>>
    tpu.wait_indirect_dma semaphore(%arg8 : memref<!tpu.dma_semaphore, #tpu.memory_space<semaphore_mem>>) src(%arg7 : memref<128xf32, #tpu.memory_space<vmem>>) dst(%dma_wait3A_1229 : memref<33554432xf32, #tpu.memory_space<hbm>>)
    return
  }
}

module attributes {stable_mosaic.version = 14 : i64} {
  func.func @_vq_body(%arg0: i32, %arg1: memref<2048x64xf32, #tpu.memory_space<vmem>>, %arg2: memref<1024x64xf32, #tpu.memory_space<vmem>>, %arg3: memref<64x1024xf32, #tpu.memory_space<vmem>>, %arg4: memref<2048x64xf32, #tpu.memory_space<vmem>>, %arg5: memref<2048x1xi32, #tpu.memory_space<vmem>>, %arg6: memref<1x1xf32, #tpu.memory_space<vmem>>, %arg7: memref<1x1xf32, #tpu.memory_space<vmem>>, %arg8: memref<1x1024xf32, #tpu.memory_space<vmem>>, %arg9: memref<1x1024xf32, #tpu.memory_space<vmem>>, %arg10: memref<1x1xf32, #tpu.memory_space<vmem>>) attributes {dimension_semantics = [#tpu.dimension_semantics<arbitrary>], iteration_bounds = array<i64: 16>, scalar_prefetch = 0 : i64, scratch_operands = 3 : i64, tpu.core_type = #tpu.core_type<tc>, window_params = [{transform_indices = @transform_0, window_bounds = array<i64: 2048, 64>}, {pipeline_mode = #tpu.pipeline_mode<synchronous>, transform_indices = @transform_1, window_bounds = array<i64: 1024, 64>}, {pipeline_mode = #tpu.pipeline_mode<synchronous>, transform_indices = @transform_2, window_bounds = array<i64: 64, 1024>}, {transform_indices = @transform_3, window_bounds = array<i64: 2048, 64>}, {transform_indices = @transform_4, window_bounds = array<i64: 2048, 1>}, {pipeline_mode = #tpu.pipeline_mode<synchronous>, transform_indices = @transform_5, window_bounds = array<i64: 1, 1>}, {pipeline_mode = #tpu.pipeline_mode<synchronous>, transform_indices = @transform_6, window_bounds = array<i64: 1, 1>}]} {
    %get3A = arith.constant 0 : index
    %get3A_0 = arith.constant 0 : index
    %get3A_1 = vector.load %arg2[%get3A, %get3A_0] : memref<1024x64xf32, #tpu.memory_space<vmem>>, vector<1024x64xf32>
    %get3A_2 = arith.constant 0 : index
    %get3A_3 = arith.constant 0 : index
    %get3A_4 = vector.load %arg3[%get3A_2, %get3A_3] : memref<64x1024xf32, #tpu.memory_space<vmem>>, vector<64x1024xf32>
    %eq3A = arith.constant 0 : i32
    %eq3A_5 = arith.cmpi eq, %arg0, %eq3A : i32
    %convert_element_type3A = arith.extui %eq3A_5 : i1 to i32
    %cond3A = arith.constant 0 : i32
    %cond3A_6 = arith.cmpi ne, %convert_element_type3A, %cond3A : i32
    scf.if %cond3A_6 {
      %mul3A_73 = arith.constant 5.000000e-01 : f32
      %mul3A_74 = vector.broadcast %mul3A_73 : f32 to vector<64x1024xf32>
      %mul3A_75 = arith.mulf %mul3A_74, %get3A_4 : vector<64x1024xf32>
      %mul3A_76 = arith.constant 5.000000e-01 : f32
      %mul3A_77 = vector.broadcast %mul3A_76 : f32 to vector<64x1024xf32>
      %mul3A_78 = arith.mulf %mul3A_77, %get3A_4 : vector<64x1024xf32>
      %mul3A_79 = arith.mulf %mul3A_75, %mul3A_78 : vector<64x1024xf32>
      %reduce_sum3A_80 = arith.constant dense<0.000000e+00> : vector<1024xf32>
      %reduce_sum3A_81 = vector.multi_reduction <add>, %mul3A_79, %reduce_sum3A_80 [0] : vector<64x1024xf32> to vector<1024xf32>
      %broadcast_in_dim3A_82 = vector.shape_cast %reduce_sum3A_81 : vector<1024xf32> to vector<1x1024xf32>
      %swap3A_83 = arith.constant 0 : index
      %swap3A_84 = arith.constant 0 : index
      %swap3A_85 = vector.load %arg8[%swap3A_83, %swap3A_84] : memref<1x1024xf32, #tpu.memory_space<vmem>>, vector<1x1024xf32>
      tpu.vector_store %arg8[%swap3A_83, %swap3A_84], %broadcast_in_dim3A_82 {strides = array<i32>} : memref<1x1024xf32, #tpu.memory_space<vmem>>, vector<1x1024xf32>,
      %broadcast_in_dim3A_86 = arith.constant 0.000000e+00 : f32
      %broadcast_in_dim3A_87 = vector.broadcast %broadcast_in_dim3A_86 : f32 to vector<1x1024xf32>
      %swap3A_88 = arith.constant 0 : index
      %swap3A_89 = arith.constant 0 : index
      %swap3A_90 = vector.load %arg9[%swap3A_88, %swap3A_89] : memref<1x1024xf32, #tpu.memory_space<vmem>>, vector<1x1024xf32>
      tpu.vector_store %arg9[%swap3A_88, %swap3A_89], %broadcast_in_dim3A_87 {strides = array<i32>} : memref<1x1024xf32, #tpu.memory_space<vmem>>, vector<1x1024xf32>,
      %broadcast_in_dim3A_91 = arith.constant 0.000000e+00 : f32
      %broadcast_in_dim3A_92 = vector.broadcast %broadcast_in_dim3A_91 : f32 to vector<1x1xf32>
      %swap3A_93 = arith.constant 0 : index
      %swap3A_94 = arith.constant 0 : index
      %swap3A_95 = vector.load %arg10[%swap3A_93, %swap3A_94] : memref<1x1xf32, #tpu.memory_space<vmem>>, vector<1x1xf32>
      tpu.vector_store %arg10[%swap3A_93, %swap3A_94], %broadcast_in_dim3A_92 {strides = array<i32>} : memref<1x1xf32, #tpu.memory_space<vmem>>, vector<1x1xf32>,
      %broadcast_in_dim3A_96 = arith.constant 0.000000e+00 : f32
      %broadcast_in_dim3A_97 = vector.broadcast %broadcast_in_dim3A_96 : f32 to vector<1x1xf32>
      %swap3A_98 = arith.constant 0 : index
      %swap3A_99 = arith.constant 0 : index
      %swap3A_100 = vector.load %arg6[%swap3A_98, %swap3A_99] : memref<1x1xf32, #tpu.memory_space<vmem>>, vector<1x1xf32>
      tpu.vector_store %arg6[%swap3A_98, %swap3A_99], %broadcast_in_dim3A_97 {strides = array<i32>} : memref<1x1xf32, #tpu.memory_space<vmem>>, vector<1x1xf32>,
      %broadcast_in_dim3A_101 = arith.constant 0.000000e+00 : f32
      %broadcast_in_dim3A_102 = vector.broadcast %broadcast_in_dim3A_101 : f32 to vector<1x1xf32>
      %swap3A_103 = arith.constant 0 : index
      %swap3A_104 = arith.constant 0 : index
      %swap3A_105 = vector.load %arg7[%swap3A_103, %swap3A_104] : memref<1x1xf32, #tpu.memory_space<vmem>>, vector<1x1xf32>
      tpu.vector_store %arg7[%swap3A_103, %swap3A_104], %broadcast_in_dim3A_102 {strides = array<i32>} : memref<1x1xf32, #tpu.memory_space<vmem>>, vector<1x1xf32>,
    } else {
    }
    %get3A_7 = arith.constant 0 : index
    %get3A_8 = arith.constant 0 : index
    %get3A_9 = vector.load %arg1[%get3A_7, %get3A_8] : memref<2048x64xf32, #tpu.memory_space<vmem>>, vector<2048x64xf32>
    %mul3A = arith.mulf %get3A_9, %get3A_9 : vector<2048x64xf32>
    %reduce_sum3A = arith.constant dense<0.000000e+00> : vector<2048xf32>
    %reduce_sum3A_10 = vector.multi_reduction <add>, %mul3A, %reduce_sum3A [1] : vector<2048x64xf32> to vector<2048xf32>
    %broadcast_in_dim3A = vector.shape_cast %reduce_sum3A_10 : vector<2048xf32> to vector<2048x1xf32>
    %dot_general3A = arith.constant dense<0.000000e+00> : vector<2048x1024xf32>
    %dot_general3A_11 = tpu.matmul %get3A_9, %get3A_4, %dot_general3A {dimension_numbers = #tpu.dot_dimension_numbers<[1], [0], [0], [1], [0, 0, 1, 1], [], []>, transpose_lhs_hint = false} : vector<2048x64xf32>, vector<64x1024xf32>, vector<2048x1024xf32> -> vector<2048x1024xf32>
    %get3A_12 = arith.constant 0 : index
    %get3A_13 = arith.constant 0 : index
    %get3A_14 = vector.load %arg8[%get3A_12, %get3A_13] : memref<1x1024xf32, #tpu.memory_space<vmem>>, vector<1x1024xf32>
    %add3A = vector.broadcast %broadcast_in_dim3A : vector<2048x1xf32> to vector<2048x1024xf32>
    %add3A_15 = vector.broadcast %get3A_14 : vector<1x1024xf32> to vector<2048x1024xf32>
    %add3A_16 = arith.addf %add3A, %add3A_15 : vector<2048x1024xf32>
    %sub3A = arith.subf %add3A_16, %dot_general3A_11 : vector<2048x1024xf32>
    %reduce_min3A = arith.constant dense<0x7F800000> : vector<2048xf32>
    %reduce_min3A_17 = vector.multi_reduction <minimumf>, %sub3A, %reduce_min3A [1] : vector<2048x1024xf32> to vector<2048xf32>
    %broadcast_in_dim3A_18 = vector.shape_cast %reduce_min3A_17 : vector<2048xf32> to vector<2048x1xf32>
    %iota3A = tpu.iota {dimensions = array<i32: 1>} : vector<1x1024xi32>
    %convert_element_type3A_19 = arith.sitofp %iota3A : vector<1x1024xi32> to vector<1x1024xf32>
    %eq3A_20 = vector.broadcast %broadcast_in_dim3A_18 : vector<2048x1xf32> to vector<2048x1024xf32>
    %eq3A_21 = arith.cmpf oeq, %sub3A, %eq3A_20 : vector<2048x1024xf32>
    %jit3A = arith.constant 1.024000e+03 : f32
    %broadcast_in_dim3A_22 = vector.shape_cast %convert_element_type3A_19 : vector<1x1024xf32> to vector<1x1024xf32>
    %broadcast_in_dim3A_23 = vector.broadcast %broadcast_in_dim3A_22 : vector<1x1024xf32> to vector<2048x1024xf32>
    %broadcast_in_dim3A_24 = vector.broadcast %jit3A : f32 to vector<2048x1024xf32>
    %select_n3A = arith.select %eq3A_21, %broadcast_in_dim3A_23, %broadcast_in_dim3A_24 : vector<2048x1024xi1>, vector<2048x1024xf32>
    %reduce_min3A_25 = arith.constant dense<0x7F800000> : vector<2048xf32>
    %reduce_min3A_26 = vector.multi_reduction <minimumf>, %select_n3A, %reduce_min3A_25 [1] : vector<2048x1024xf32> to vector<2048xf32>
    %broadcast_in_dim3A_27 = vector.shape_cast %reduce_min3A_26 : vector<2048xf32> to vector<2048x1xf32>
    %eq3A_28 = vector.broadcast %convert_element_type3A_19 : vector<1x1024xf32> to vector<2048x1024xf32>
    %eq3A_29 = vector.broadcast %broadcast_in_dim3A_27 : vector<2048x1xf32> to vector<2048x1024xf32>
    %eq3A_30 = arith.cmpf oeq, %eq3A_28, %eq3A_29 : vector<2048x1024xf32>
    %convert_element_type3A_31 = arith.extui %eq3A_30 : vector<2048x1024xi1> to vector<2048x1024xi32>
    %convert_element_type3A_32 = arith.sitofp %convert_element_type3A_31 : vector<2048x1024xi32> to vector<2048x1024xf32>
    %convert_element_type3A_33 = arith.fptosi %reduce_min3A_26 : vector<2048xf32> to vector<2048xi32>
    %dot_general3A_34 = arith.constant dense<0.000000e+00> : vector<2048x64xf32>
    %dot_general3A_35 = tpu.matmul %convert_element_type3A_32, %get3A_1, %dot_general3A_34 {dimension_numbers = #tpu.dot_dimension_numbers<[1], [0], [0], [1], [0, 0, 1, 1], [], []>, transpose_lhs_hint = false} : vector<2048x1024xf32>, vector<1024x64xf32>, vector<2048x64xf32> -> vector<2048x64xf32>
    %sub3A_36 = arith.subf %dot_general3A_35, %get3A_9 : vector<2048x64xf32>
    %add3A_37 = arith.addf %get3A_9, %sub3A_36 : vector<2048x64xf32>
    %swap3A = arith.constant 0 : index
    %swap3A_38 = arith.constant 0 : index
    %swap3A_39 = vector.load %arg4[%swap3A, %swap3A_38] : memref<2048x64xf32, #tpu.memory_space<vmem>>, vector<2048x64xf32>
    tpu.vector_store %arg4[%swap3A, %swap3A_38], %add3A_37 {strides = array<i32>} : memref<2048x64xf32, #tpu.memory_space<vmem>>, vector<2048x64xf32>,
    %broadcast_in_dim3A_40 = vector.shape_cast %convert_element_type3A_33 : vector<2048xi32> to vector<2048x1xi32>
    %swap3A_41 = arith.constant 0 : index
    %swap3A_42 = arith.constant 0 : index
    %swap3A_43 = vector.load %arg5[%swap3A_41, %swap3A_42] : memref<2048x1xi32, #tpu.memory_space<vmem>>, vector<2048x1xi32>
    tpu.vector_store %arg5[%swap3A_41, %swap3A_42], %broadcast_in_dim3A_40 {strides = array<i32>} : memref<2048x1xi32, #tpu.memory_space<vmem>>, vector<2048x1xi32>,
    %get3A_44 = arith.constant 0 : index
    %get3A_45 = arith.constant 0 : index
    %get3A_46 = vector.load %arg9[%get3A_44, %get3A_45] : memref<1x1024xf32, #tpu.memory_space<vmem>>, vector<1x1024xf32>
    %reduce_sum3A_47 = arith.constant dense<0.000000e+00> : vector<1024xf32>
    %reduce_sum3A_48 = vector.multi_reduction <add>, %convert_element_type3A_32, %reduce_sum3A_47 [0] : vector<2048x1024xf32> to vector<1024xf32>
    %broadcast_in_dim3A_49 = vector.shape_cast %reduce_sum3A_48 : vector<1024xf32> to vector<1x1024xf32>
    %add3A_50 = arith.addf %get3A_46, %broadcast_in_dim3A_49 : vector<1x1024xf32>
    %swap3A_51 = arith.constant 0 : index
    %swap3A_52 = arith.constant 0 : index
    %swap3A_53 = vector.load %arg9[%swap3A_51, %swap3A_52] : memref<1x1024xf32, #tpu.memory_space<vmem>>, vector<1x1024xf32>
    tpu.vector_store %arg9[%swap3A_51, %swap3A_52], %add3A_50 {strides = array<i32>} : memref<1x1024xf32, #tpu.memory_space<vmem>>, vector<1x1024xf32>,
    %get3A_54 = arith.constant 0 : index
    %get3A_55 = arith.constant 0 : index
    %get3A_56 = vector.load %arg10[%get3A_54, %get3A_55] : memref<1x1xf32, #tpu.memory_space<vmem>>, vector<1x1xf32>
    %sub3A_57 = arith.subf %dot_general3A_35, %get3A_9 : vector<2048x64xf32>
    %integer_pow3A = arith.mulf %sub3A_57, %sub3A_57 : vector<2048x64xf32>
    %reduce_sum3A_58 = vector.shape_cast %integer_pow3A : vector<2048x64xf32> to vector<1x2048x64xf32>
    %reduce_sum3A_59 = arith.constant dense<0.000000e+00> : vector<1xf32>
    %reduce_sum3A_60 = vector.multi_reduction <add>, %reduce_sum3A_58, %reduce_sum3A_59 [1, 2] : vector<1x2048x64xf32> to vector<1xf32>
    %reduce_sum3A_61 = vector.shape_cast %reduce_sum3A_60 : vector<1xf32> to vector<1x1x1xf32>
    %reduce_sum3A_62 = vector.extract %reduce_sum3A_61[0, 0, 0] : f32 from vector<1x1x1xf32>
    %broadcast_in_dim3A_63 = vector.broadcast %reduce_sum3A_62 : f32 to vector<1x1xf32>
    %add3A_64 = arith.addf %get3A_56, %broadcast_in_dim3A_63 : vector<1x1xf32>
    %swap3A_65 = arith.constant 0 : index
    %swap3A_66 = arith.constant 0 : index
    %swap3A_67 = vector.load %arg10[%swap3A_65, %swap3A_66] : memref<1x1xf32, #tpu.memory_space<vmem>>, vector<1x1xf32>
    tpu.vector_store %arg10[%swap3A_65, %swap3A_66], %add3A_64 {strides = array<i32>} : memref<1x1xf32, #tpu.memory_space<vmem>>, vector<1x1xf32>,
    %eq3A_68 = arith.constant 15 : i32
    %eq3A_69 = arith.cmpi eq, %arg0, %eq3A_68 : i32
    %convert_element_type3A_70 = arith.extui %eq3A_69 : i1 to i32
    %cond3A_71 = arith.constant 0 : i32
    %cond3A_72 = arith.cmpi ne, %convert_element_type3A_70, %cond3A_71 : i32
    scf.if %cond3A_72 {
      %get3A_73 = arith.constant 0 : index
      %get3A_74 = arith.constant 0 : index
      %get3A_75 = vector.load %arg9[%get3A_73, %get3A_74] : memref<1x1024xf32, #tpu.memory_space<vmem>>, vector<1x1024xf32>
      %mul3A_76 = arith.constant 3.05175781E-5 : f32
      %mul3A_77 = vector.broadcast %mul3A_76 : f32 to vector<1x1024xf32>
      %mul3A_78 = arith.mulf %get3A_75, %mul3A_77 : vector<1x1024xf32>
      %add3A_79 = arith.constant 1.000000e-10 : f32
      %add3A_80 = vector.broadcast %add3A_79 : f32 to vector<1x1024xf32>
      %add3A_81 = arith.addf %mul3A_78, %add3A_80 : vector<1x1024xf32>
      %log3A = math.log %add3A_81 : vector<1x1024xf32>
      %mul3A_82 = arith.mulf %mul3A_78, %log3A : vector<1x1024xf32>
      %reduce_sum3A_83 = vector.shape_cast %mul3A_82 : vector<1x1024xf32> to vector<1x1x1024xf32>
      %reduce_sum3A_84 = arith.constant dense<0.000000e+00> : vector<1xf32>
      %reduce_sum3A_85 = vector.multi_reduction <add>, %reduce_sum3A_83, %reduce_sum3A_84 [1, 2] : vector<1x1x1024xf32> to vector<1xf32>
      %reduce_sum3A_86 = vector.shape_cast %reduce_sum3A_85 : vector<1xf32> to vector<1x1x1xf32>
      %reduce_sum3A_87 = vector.extract %reduce_sum3A_86[0, 0, 0] : f32 from vector<1x1x1xf32>
      %neg3A = arith.constant 0.000000e+00 : f32
      %neg3A_88 = arith.subf %neg3A, %reduce_sum3A_87 : f32
      %exp3A = math.exp %neg3A_88 : f32
      %broadcast_in_dim3A_89 = vector.broadcast %exp3A : f32 to vector<1x1xf32>
      %swap3A_90 = arith.constant 0 : index
      %swap3A_91 = arith.constant 0 : index
      %swap3A_92 = vector.load %arg7[%swap3A_90, %swap3A_91] : memref<1x1xf32, #tpu.memory_space<vmem>>, vector<1x1xf32>
      tpu.vector_store %arg7[%swap3A_90, %swap3A_91], %broadcast_in_dim3A_89 {strides = array<i32>} : memref<1x1xf32, #tpu.memory_space<vmem>>, vector<1x1xf32>,
      %get3A_93 = arith.constant 0 : index
      %get3A_94 = arith.constant 0 : index
      %get3A_95 = vector.load %arg10[%get3A_93, %get3A_94] : memref<1x1xf32, #tpu.memory_space<vmem>>, vector<1x1xf32>
      %mul3A_96 = arith.constant 1.1920929E-7 : f32
      %mul3A_97 = vector.broadcast %mul3A_96 : f32 to vector<1x1xf32>
      %mul3A_98 = arith.mulf %get3A_95, %mul3A_97 : vector<1x1xf32>
      %swap3A_99 = arith.constant 0 : index
      %swap3A_100 = arith.constant 0 : index
      %swap3A_101 = vector.load %arg6[%swap3A_99, %swap3A_100] : memref<1x1xf32, #tpu.memory_space<vmem>>, vector<1x1xf32>
      tpu.vector_store %arg6[%swap3A_99, %swap3A_100], %mul3A_98 {strides = array<i32>} : memref<1x1xf32, #tpu.memory_space<vmem>>, vector<1x1xf32>,
    } else {
    }
    return
  }
  func.func @transform_0(%arg0: i32) -> (i32, i32) {
    %c0_i32 = arith.constant 0 : i32
    %c0_i32_0 = arith.constant 0 : i32
    return %arg0, %c0_i32 : i32, i32
  }
  func.func @transform_1(%arg0: i32) -> (i32, i32) {
    %c0_i32 = arith.constant 0 : i32
    %c0_i32_0 = arith.constant 0 : i32
    %c0_i32_1 = arith.constant 0 : i32
    return %c0_i32, %c0_i32_0 : i32, i32
  }
  func.func @transform_2(%arg0: i32) -> (i32, i32) {
    %c0_i32 = arith.constant 0 : i32
    %c0_i32_0 = arith.constant 0 : i32
    %c0_i32_1 = arith.constant 0 : i32
    return %c0_i32, %c0_i32_0 : i32, i32
  }
  func.func @transform_3(%arg0: i32) -> (i32, i32) {
    %c0_i32 = arith.constant 0 : i32
    %c0_i32_0 = arith.constant 0 : i32
    return %arg0, %c0_i32 : i32, i32
  }
  func.func @transform_4(%arg0: i32) -> (i32, i32) {
    %c0_i32 = arith.constant 0 : i32
    %c0_i32_0 = arith.constant 0 : i32
    return %arg0, %c0_i32 : i32, i32
  }
  func.func @transform_5(%arg0: i32) -> (i32, i32) {
    %c0_i32 = arith.constant 0 : i32
    %c0_i32_0 = arith.constant 0 : i32
    %c0_i32_1 = arith.constant 0 : i32
    return %c0_i32, %c0_i32_0 : i32, i32
  }
  func.func @transform_6(%arg0: i32) -> (i32, i32) {
    %c0_i32 = arith.constant 0 : i32
    %c0_i32_0 = arith.constant 0 : i32
    %c0_i32_1 = arith.constant 0 : i32
    return %c0_i32, %c0_i32_0 : i32, i32
  }
}

</mosaic_0001>

<sc_bundles>
// kernel: kernel.5.cloned.1.call-start
scs
__scs_entry_jumppad:
0x0: {  	(pc) =	sbr.rel $0x88, $3  }
0x1: {  	(tag) =	ssettag $0x0;
	lr =	simm.s32 $0x1  }
0x2: {  	[smem:$0x3F9F] =	sst lr;
	_ =	strace $0xD0000000  }
0x3: {  	_ = 	snop  }
0x4: {  	_ = 	snop  }
0x5: {  	_ = 	snop  }
0x6: {  	_ = 	snop  }
0x7: {  	_ = 	snop  }
__scs_overlays_trampoline_lowered:
0x8: {  	[smem:$0x3FAE] =	sst s0  }
0x9: {  	[smem:$0x3FAF] =	sst s1  }
0xa: {  	[smem:$0x3FB0] =	sst s2  }
0xb: {  	[smem:$0x3FB1] =	sst s3  }
0xc: {  	[smem:$0x3FB2] =	sst s4  }
0xd: {  	[smem:$0x3FB3] =	sst s5  }
0xe: {  	[smem:$0x3FB4] =	sst s6  }
0xf: {  	[smem:$0x3FB5] =	sst s7  }
0x10: {  	[smem:$0x3FB6] =	sst s8  }
0x11: {  	[smem:$0x3FB7] =	sst s9;
	s0 =	simm.s32 @!p0 $0x0  }
0x12: {  	s1 =	sld [smem:$0x3F9D];
	s0 =	simm.s32 @p0 $0x1  }
0x13: {  	[smem:$0x3FB8] =	sst s0;
	s0 =	simm.s32 @!p1 $0x0  }
0x14: {  	s2 =	sld [smem:$0x3F9C];
	s0 =	simm.s32 @p1 $0x1  }
0x15: {  	[smem:$0x3FB9] =	sst s0;
	s0 =	simm.s32 @!p2 $0x0  }
0x16: {  	s3 =	sld [smem:$0x3FDB];
	s0 =	simm.s32 @p2 $0x1  }
0x17: {  	s4 =	simm.s32 $0x1BF5;
	[smem:$0x3FBB] =	sst s0  }
0x18: {  	s0 =	sld [smem:$0x3F9E];
	_ =	swait.ge [sflag:s4], $0x0  }
0x19: {  	s7 =	sld [smem:$0x3F9F]  }
0x1a: {  	s8 =	sadd.s32 $0xFFFFE003, lr  }
0x1b: {  	s9 =	sadd.s32 $0xFFFFFEF7, lr;
	s5 =	simm.s32 $0xFFFFFFFF;
	p2 =	slt.u32 s8, $0xFFFFF086  }
0x1c: {  	p1 =	slt.u32 s9, $0xF7A;
	s5 =	simm.s32 @!p2 $0x0  }
0x1d: {  	s5 =	simm.s32 @p1 $0x1;
	p0 =	seq.s32 s7, s2  }
0x1e: {  	s7 =	smul.u32 @!p0 $0xF7A, s2;
	p2 =	seq.s32 @!p0 s5, $0x0  }
0x1f: {  	s9 =	smul.u32 $0xF7A, s1;
	s8 =	simm.s32 @!p0 $0x1BF5;
	p2 =	por !p2, p0  }
0x20: {  	[sflag:s8] =	ssyncset.s32 @!p0 $0xFFFFF086;
	s6 =	sadd.s32 @!p0 s3, s7;
	s7 =	simm.s32 @!p0 $0x108  }
0x21: {  	s3 =	sadd.s32 s3, s9;
	s6 =	sadd.s32 @!p0 $0x88, s6;
	s7 =	simm.s32 @p2 $0x1082  }
0x22: {  	[simem:s7], [sflag:s8] =	dma.local @!p0 [hbm:s6], $0xF7A  }
0x23: {  	s9 =	sor.u32 $0xD0000000, s2;
	s6 =	simm.s32 $0x108;
	_ =	swait.ge @!p0 [sflag:s8], $0x0  }
0x24: {  	s3 =	sadd.s32 $0x88, s3;
	s6 =	simm.s32 @!p1 $0x1082;
	[sflag:s4] =	ssyncset.s32 $0xFFFFF086  }
0x25: {  	[simem:s6], [sflag:s4] =	dma.local [hbm:s3], $0xF7A  }
0x26: {  	[smem:$0x3F9F] =	sst s1;
	(tag) =	ssettag s2;
	_ =	strace s9  }
0x27: {  	s1 =	sld [smem:$0x3FAF]  }
0x28: {  	s2 =	sld [smem:$0x3FB0]  }
0x29: {  	s4 =	sld [smem:$0x3FB2]  }
0x2a: {  	p0 =	seq.s32 s5, $0x0;
	s5 =	sld [smem:$0x3FB3]  }
0x2b: {  	s6 =	sld [smem:$0x3FB4]  }
0x2c: {  	s7 =	sld [smem:$0x3FB5]  }
0x2d: {  	s3 =	simm.s32 $0x108;
	s8 =	sld [smem:$0x3FB6]  }
0x2e: {  	s3 =	simm.s32 @!p0 $0x1082;
	s9 =	sld [smem:$0x3FB7]  }
0x2f: {  	lr =	sadd.s32 s0, s3;
	s0 =	sld [smem:$0x3FAE]  }
0x30: {  	s3 =	sld [smem:$0x3FB1]  }
0x31: {  	[smem:$0x3FBA] =	sst s10  }
0x32: {  	s10 =	sld [smem:$0x3FB8];
	_ =	sdelay $0x3  }
0x33: {  	p0 =	seq.s32 s10, $0x1;
	s10 =	sld [smem:$0x3FBA];
	_ =	sdelay $0x3  }
0x34: {  	[smem:$0x3FBA] =	sst s10  }
0x35: {  	s10 =	sld [smem:$0x3FB9];
	_ =	sdelay $0x3  }
0x36: {  	p1 =	seq.s32 s10, $0x1;
	s10 =	sld [smem:$0x3FBA];
	_ =	sdelay $0x3  }
0x37: {  	[smem:$0x3FBA] =	sst s10  }
0x38: {  	s10 =	sld [smem:$0x3FBB]  }
0x39: {  	_ = 	snop;
	(pc) =	sbr.ind lr, $3  }
0x3a: {  	_ = 	snop  }
0x3b: {  	_ = 	snop  }
0x3c: {  	p2 =	seq.s32 s10, $0x1;
	s10 =	sld [smem:$0x3FBA]  }
0x3d: {  	_ =	shalt  }
0x3e: {  	_ =	shalt  }
0x3f: {  	_ =	shalt  }
0x40: {  	_ =	shalt  }
0x41: {  	_ =	shalt  }
0x42: {  	_ =	shalt  }
0x43: {  	_ =	shalt  }
0x44: {  	_ =	shalt  }
0x45: {  	_ =	shalt  }
0x46: {  	_ =	shalt  }
0x47: {  	_ =	shalt  }
0x48: {  	_ =	shalt  }
0x49: {  	_ =	shalt  }
0x4a: {  	_ =	shalt  }
0x4b: {  	_ =	shalt  }
0x4c: {  	_ =	shalt  }
0x4d: {  	_ =	shalt  }
0x4e: {  	_ =	shalt  }
0x4f: {  	_ =	shalt  }
0x50: {  	_ =	shalt  }
0x51: {  	_ =	shalt  }
0x52: {  	_ =	shalt  }
0x53: {  	_ =	shalt  }
0x54: {  	_ =	shalt  }
0x55: {  	_ =	shalt  }
0x56: {  	_ =	shalt  }
0x57: {  	_ =	shalt  }
0x58: {  	_ =	shalt  }
0x59: {  	_ =	shalt  }
0x5a: {  	_ =	shalt  }
0x5b: {  	_ =	shalt  }
0x5c: {  	_ =	shalt  }
0x5d: {  	_ =	shalt  }
0x5e: {  	_ =	shalt  }
0x5f: {  	_ =	shalt  }
0x60: {  	_ =	shalt  }
0x61: {  	_ =	shalt  }
0x62: {  	_ =	shalt  }
0x63: {  	_ =	shalt  }
0x64: {  	_ =	shalt  }
0x65: {  	_ =	shalt  }
0x66: {  	_ =	shalt  }
0x67: {  	_ =	shalt  }
0x68: {  	_ =	shalt  }
0x69: {  	_ =	shalt  }
0x6a: {  	_ =	shalt  }
0x6b: {  	_ =	shalt  }
0x6c: {  	_ =	shalt  }
0x6d: {  	_ =	shalt  }
0x6e: {  	_ =	shalt  }
0x6f: {  	_ =	shalt  }
0x70: {  	_ =	shalt  }
0x71: {  	_ =	shalt  }
0x72: {  	_ =	shalt  }
0x73: {  	_ =	shalt  }
0x74: {  	_ =	shalt  }
0x75: {  	_ =	shalt  }
0x76: {  	_ =	shalt  }
0x77: {  	_ =	shalt  }
0x78: {  	_ =	shalt  }
0x79: {  	_ =	shalt  }
0x7a: {  	_ =	shalt  }
0x7b: {  	_ =	shalt  }
0x7c: {  	_ =	shalt  }
0x7d: {  	_ =	shalt  }
0x7e: {  	_ =	shalt  }
0x7f: {  	_ =	shalt  }
0x80: {  	_ =	shalt  }
0x81: {  	_ =	shalt  }
0x82: {  	_ =	shalt  }
0x83: {  	_ =	shalt  }
0x84: {  	_ =	shalt  }
0x85: {  	_ =	shalt  }
0x86: {  	_ =	shalt  }
0x87: {  	_ =	shalt  }
.Lfunc_end0:
.L_simem_size_0:
called_computation_lowered:
.L_overlay_start_0:
0x88: {  	s2 =	sld [smem:$0x3FD9]  }
0x89: {  	s3 =	sld [smem:$0x3FFE];
	_ =	sdelay $0x1  }
0x8a: {  	s1 =	srdreg.scid  }
0x8b: {  	s0 =	sand.u32 $0x1, s1  }
0x8c: {  	s14 =	sshll.u32 s0, $0xA;
	s2 =	sadd.s32 s3, s2  }
0x8d: {  	s2 =	sadd.s32 s2, s14  }
0x8e: {  	[smem:$0x3FC6] =	sst s2  }
0x8f: {  	_ = 	snop  }
0x90: {  	s2 =	sld [smem:$0x3FD0];
	_ =	sdelay $0x2  }
0x91: {  	s15 =	simm.s32 $0xA;
	s4 =	simm.s32 $0x10  }
0x92: {  	[smem:s4], [sflag:s15] =	dma.local [hbm:s2], $0x1  }
0x93: {  	_ =	swait.eq [sflag:s15], $0x1  }
0x94: {  	[sflag:s15] =	ssyncset.done $0x0  }
0x95: {  	[sflag:s15] =	ssyncadd.s32 $0xFFFFFFFF  }
0x96: {  	s16 =	sld [smem:$0x13];
	(tm) =	ssettm $0x1  }
0x97: {  	s17 =	sld [smem:$0x3FFB];
	_ =	sdelay $0x3  }
0x98: {  	_ =	strace s17  }
0x99: {  	s3 =	sld [smem:$0x3FFC];
	_ =	sdelay $0x3  }
0x9a: {  	_ =	strace s3  }
0x9b: {  	s3 =	sld [smem:$0x3FFD];
	_ =	sdelay $0x3  }
0x9c: {  	_ =	strace s3  }
0x9d: {  	_ =	strace $0x8FFFFFFF  }
0x9e: {  	s18 =	sld [smem:$0x3FDB];
	_ =	sdelay $0x1  }
0x9f: {  	s19 =	simm.s32 $_scs_section_size  }
0xa0: {  	s5 =	simm.s32 $_size__tile_overlayer_lowered;
	s6 =	simm.s32 $_tile_overlayer_lowered  }
0xa1: {  	s22 =	simm.s32 $0x1BFF;
	s21 =	sshll.u32 s6, $0x1;
	s3 =	sadd.s32 s19, s18  }
0xa2: {  	s7 =	simm.s32 $0x0;
	s20 =	sshll.u32 s5, $0x1;
	s5 =	sadd.s32 s21, s3  }
0xa3: {  	[timem:s7], [sflag:s22] =	dma.local [hbm:s5], s20  }
0xa4: {  	_ =	swait.ge [sflag:s22], s20  }
0xa5: {  	s4 =	ssub.s32 $0x0, s20;
	[sflag:s22] =	ssyncset.done $0x0  }
0xa6: {  	[sflag:s22] =	ssyncadd.s32 s4;
	_ =	sdelay $0x1  }
0xa7: {  	s23 =	simm.s32 $0x1B8B  }
0xa8: {  	_ =	swait.ge [sflag:s23], $0x1  }
0xa9: {  	[sflag:s23] =	ssyncset.done $0x0  }
0xaa: {  	s25 =	simm.s32 $0x1B8E;
	s24 =	sld [smem:$0x3FFE];
	[sflag:s23] =	ssyncadd.s32 $0xFFFFFFFF  }
0xab: {  	s26 =	simm.s32 $execute0_lowered;
	[smem:$0x3FD2] =	sst s25  }
0xac: {  	s5 =	sshll.u32 s26, $0x1;
	_ =	strace $0x80000046;
	[dreg:$0x1] =	wrdreg $0xFFFFFFFF  }
0xad: {  	s28 =	simm.s32 $_size_execute0_lowered;
	s3 =	sadd.s32 s3, s5;
	[dreg:$0x0] =	wrdreg $0x0  }
0xae: {  	s5 =	sshll.u32 s28, $0x1;
	[dreg:$0x2] =	wrdreg s3  }
0xaf: {  	[dreg:$0x3] =	wrdreg s5  }
0xb0: {  	[dreg:$0x4] =	wrdreg $0xC0  }
0xb1: {  	_ =	task [dreg:s7], $0x5FFFF  }
0xb2: {  	[dreg:$0x1] =	wrdreg $0xFFFFFFFF  }
0xb3: {  	[dreg:$0x0] =	wrdreg $0x60  }
0xb4: {  	[dreg:$0x2] =	wrdreg s24  }
0xb5: {  	[dreg:$0x3] =	wrdreg s16  }
0xb6: {  	[dreg:$0x4] =	wrdreg $0x9  }
0xb7: {  	_ =	task.clear_ibuf [dreg:s7], $0x5FFFF;
	_ =	strace $0x90000046  }
0xb8: {  	s29 =	simm.s32 $0x9;
	_ =	strace $0x80000048  }
0xb9: {  	_ =	swait.ge [sflag:s29], $0x1  }
0xba: {  	[sflag:s29] =	ssyncadd.s32 $0xFFFFFFFF  }
0xbb: {  	_ =	strace $0x90000048  }
0xbc: {  	_ =	sfence  }
0xbd: {  	s30 =	sld [smem:$0x0];
	_ =	sdelay $0x2  }
0xbe: {  	s31 =	sshll.u32 s1, $0xD;
	s1 =	sshrl.u32 s1, $0x2  }
0xbf: {  	s3 =	sand.u32 $0x4000, s31;
	s1 =	sadd.s32 s1, s30  }
0xc0: {  	s0 =	sor.u32 s3, s0;
	s1 =	sshll.u32 s1, $0x11  }
0xc1: {  	s0 =	sor.u32 s1, s0  }
0xc2: {  	s0 =	sadd.s32 $0x8F2B, s0  }
0xc3: {  	[sflag:s0] =	ssyncadd.remote.s32 $0x1  }
0xc4: {  	_ =	sfence.sel $0xFFFF  }
0xc5: {  	[dreg:$0x0] =	wrdreg $0xFFFFFFFF;
	(pc) =	sbr.abs _section_cstart, $3  }
0xc6: {  	[dreg:$0x1] =	wrdreg $0xFFFFFFFF  }
0xc7: {  	_ =	task.clear_ibuf [dreg:s7], $0x2FFFF;
	_ =	strace $0x9FFFFFFF  }
0xc8: {  	(tm) =	ssettm $0x7FFFFFFF  }
0xc9: {  	_ =	shalt  }
tec
execute0_lowered:
.L_overlay_start_1:
0x0: {  	(tag) =	ssettag $0x1  }
0x1: {  	s5 =	rddreg [dreg:$0x0]  }
0x2: {  	s1 =	rddreg [dreg:$0x1]  }
0x3: {  	s0 =	rddreg [dreg:$0x2]  }
0x4: {  	s3 =	simm.s32 $0x0;
	s4 =	srdreg.scid;
	s2 =	stileid.u32  }
0x5: {  	[smem:$0x7FF] =	sst s3;
	s22 =	sand.u32 $0x1, s4;
	s6 =	sshll.u32 s2, $0x12  }
0x6: {  	s4 =	simm.s32 $0x2;
	_ =	strace $0x80000047;
	s7 =	sshll.u32 s22, $0x11  }
0x7: {  	[tilespmem:s3], [sflag:$0x2] =	stream.linear.gather [hbm4b:s1+s3], $0x10000, $0x38;
	[tilespmem:$0x10000] =	vst v63  }
0x8: {  	s6 =	sor.u32 s7, s6;
	_ =	swait.ge [sflag:s4], $0x10000  }
0x9: {  	s20 =	sadd.s32 s6, s5;
	[sflag:s4] =	ssyncset.done $0x0  }
0xa: {  	s5 =	sadd.s32 $0x800, s20;
	[sflag:s4] =	ssyncadd.s32 $0xFFFF0000  }
0xb: {  	[hbm4b:s5+s3] =	stream.linear.scatter [tilespmem:s3], [sflag:$0x1], $0x10000, $0x38;
	[tilespmem:$0x10000] =	vst v63  }
0xc: {  	s6 =	sadd.s32 $0x2800, s20  }
0xd: {  	[hbm4b:s6+s3] =	stream.linear.scatter [tilespmem:s3], [sflag:$0x1], $0x10000, $0x38;
	[tilespmem:$0x10000] =	vst v63  }
0xe: {  	s7 =	sadd.s32 $0x4800, s20  }
0xf: {  	[hbm4b:s7+s3] =	stream.linear.scatter [tilespmem:s3], [sflag:$0x1], $0x10000, $0x38;
	[tilespmem:$0x10000] =	vst v63  }
0x10: {  	s8 =	sadd.s32 $0x6800, s20  }
0x11: {  	[hbm4b:s8+s3] =	stream.linear.scatter [tilespmem:s3], [sflag:$0x1], $0x10000, $0x38;
	[tilespmem:$0x10000] =	vst v63  }
0x12: {  	s9 =	sadd.s32 $0x8800, s20  }
0x13: {  	[hbm4b:s9+s3] =	stream.linear.scatter [tilespmem:s3], [sflag:$0x1], $0x10000, $0x38;
	[tilespmem:$0x10000] =	vst v63  }
0x14: {  	s10 =	sadd.s32 $0xA800, s20  }
0x15: {  	[hbm4b:s10+s3] =	stream.linear.scatter [tilespmem:s3], [sflag:$0x1], $0x10000, $0x38;
	[tilespmem:$0x10000] =	vst v63  }
0x16: {  	s11 =	sadd.s32 $0xC800, s20  }
0x17: {  	[hbm4b:s11+s3] =	stream.linear.scatter [tilespmem:s3], [sflag:$0x1], $0x10000, $0x38;
	[tilespmem:$0x10000] =	vst v63  }
0x18: {  	s12 =	sadd.s32 $0xE800, s20  }
0x19: {  	[hbm4b:s12+s3] =	stream.linear.scatter [tilespmem:s3], [sflag:$0x1], $0x10000, $0x38;
	[tilespmem:$0x10000] =	vst v63  }
0x1a: {  	s13 =	sadd.s32 $0x10800, s20  }
0x1b: {  	[hbm4b:s13+s3] =	stream.linear.scatter [tilespmem:s3], [sflag:$0x1], $0x10000, $0x38;
	[tilespmem:$0x10000] =	vst v63  }
0x1c: {  	s14 =	sadd.s32 $0x12800, s20  }
0x1d: {  	[hbm4b:s14+s3] =	stream.linear.scatter [tilespmem:s3], [sflag:$0x1], $0x10000, $0x38;
	[tilespmem:$0x10000] =	vst v63  }
0x1e: {  	s15 =	sadd.s32 $0x14800, s20  }
0x1f: {  	[hbm4b:s15+s3] =	stream.linear.scatter [tilespmem:s3], [sflag:$0x1], $0x10000, $0x38;
	[tilespmem:$0x10000] =	vst v63  }
0x20: {  	s16 =	sadd.s32 $0x16800, s20  }
0x21: {  	[hbm4b:s16+s3] =	stream.linear.scatter [tilespmem:s3], [sflag:$0x1], $0x10000, $0x38;
	[tilespmem:$0x10000] =	vst v63  }
0x22: {  	s17 =	sadd.s32 $0x18800, s20  }
0x23: {  	[hbm4b:s17+s3] =	stream.linear.scatter [tilespmem:s3], [sflag:$0x1], $0x10000, $0x38;
	[tilespmem:$0x10000] =	vst v63  }
0x24: {  	s18 =	sadd.s32 $0x1A800, s20  }
0x25: {  	[hbm4b:s18+s3] =	stream.linear.scatter [tilespmem:s3], [sflag:$0x1], $0x10000, $0x38;
	[tilespmem:$0x10000] =	vst v63  }
0x26: {  	s19 =	sadd.s32 $0x1C800, s20  }
0x27: {  	[hbm4b:s19+s3] =	stream.linear.scatter [tilespmem:s3], [sflag:$0x1], $0x10000, $0x38;
	[tilespmem:$0x10000] =	vst v63  }
0x28: {  	s21 =	sadd.s32 $0x1E800, s20;
	s20 =	simm.s32 $0x1  }
0x29: {  	[hbm4b:s21+s3] =	stream.linear.scatter [tilespmem:s3], [sflag:$0x1], $0x10000, $0x38;
	[tilespmem:$0x10000] =	vst v63  }
0x2a: {  	_ =	swait.ge [sflag:s20], $0x10000  }
0x2b: {  	[sflag:s20] =	ssyncset.done $0x0  }
0x2c: {  	[sflag:s20] =	ssyncadd.s32 $0xFFFF0000  }
0x2d: {  	_ =	swait.ge [sflag:s20], $0x10000  }
0x2e: {  	[sflag:s20] =	ssyncset.done $0x0  }
0x2f: {  	[sflag:s20] =	ssyncadd.s32 $0xFFFF0000  }
0x30: {  	_ =	swait.ge [sflag:s20], $0x10000  }
0x31: {  	[sflag:s20] =	ssyncset.done $0x0  }
0x32: {  	[sflag:s20] =	ssyncadd.s32 $0xFFFF0000  }
0x33: {  	_ =	swait.ge [sflag:s20], $0x10000  }
0x34: {  	[sflag:s20] =	ssyncset.done $0x0  }
0x35: {  	[sflag:s20] =	ssyncadd.s32 $0xFFFF0000  }
0x36: {  	_ =	swait.ge [sflag:s20], $0x10000  }
0x37: {  	[sflag:s20] =	ssyncset.done $0x0  }
0x38: {  	[sflag:s20] =	ssyncadd.s32 $0xFFFF0000  }
0x39: {  	_ =	swait.ge [sflag:s20], $0x10000  }
0x3a: {  	[sflag:s20] =	ssyncset.done $0x0  }
0x3b: {  	[sflag:s20] =	ssyncadd.s32 $0xFFFF0000  }
0x3c: {  	_ =	swait.ge [sflag:s20], $0x10000  }
0x3d: {  	[sflag:s20] =	ssyncset.done $0x0  }
0x3e: {  	[sflag:s20] =	ssyncadd.s32 $0xFFFF0000  }
0x3f: {  	_ =	swait.ge [sflag:s20], $0x10000  }
0x40: {  	[sflag:s20] =	ssyncset.done $0x0  }
0x41: {  	[sflag:s20] =	ssyncadd.s32 $0xFFFF0000  }
0x42: {  	_ =	swait.ge [sflag:s20], $0x10000  }
0x43: {  	[sflag:s20] =	ssyncset.done $0x0  }
0x44: {  	[sflag:s20] =	ssyncadd.s32 $0xFFFF0000  }
0x45: {  	_ =	swait.ge [sflag:s20], $0x10000  }
0x46: {  	[sflag:s20] =	ssyncset.done $0x0  }
0x47: {  	[sflag:s20] =	ssyncadd.s32 $0xFFFF0000  }
0x48: {  	_ =	swait.ge [sflag:s20], $0x10000  }
0x49: {  	[sflag:s20] =	ssyncset.done $0x0  }
0x4a: {  	[sflag:s20] =	ssyncadd.s32 $0xFFFF0000  }
0x4b: {  	_ =	swait.ge [sflag:s20], $0x10000  }
0x4c: {  	[sflag:s20] =	ssyncset.done $0x0  }
0x4d: {  	[sflag:s20] =	ssyncadd.s32 $0xFFFF0000  }
0x4e: {  	_ =	swait.ge [sflag:s20], $0x10000  }
0x4f: {  	s22 =	ssub.s32 $0x2, s22;
	[sflag:s20] =	ssyncset.done $0x0  }
0x50: {  	s23 =	sshrl.u32 s22, $0x1;
	[sflag:s20] =	ssyncadd.s32 $0xFFFF0000  }
0x51: {  	s22 =	ssub.s32 s22, s23;
	_ =	swait.ge [sflag:s20], $0x10000  }
0x52: {  	s22 =	smax.u32 s22, $0x1;
	[sflag:s20] =	ssyncset.done $0x0  }
0x53: {  	p0 =	sne.s32 s22, $0x1;
	[sflag:s20] =	ssyncadd.s32 $0xFFFF0000  }
.Ltmp0:
0x54: {  	_ =	swait.ge [sflag:s20], $0x10000;
	(pc) =	sbr.rel @!p0 .LBB2_2-.Ltmp0, $4  }
0x55: {  	[sflag:s20] =	ssyncset.done $0x0  }
0x56: {  	[sflag:s20] =	ssyncadd.s32 $0xFFFF0000  }
0x57: {  	_ =	swait.ge [sflag:s20], $0x10000  }
0x58: {  	s22 =	sadd.s32 $0xFFFFFFFF, s22;
	[sflag:s20] =	ssyncset.done $0x0  }
.LBB2_1:
0x59: {  	p0 =	sne.s32 s22, $0x1;
	s22 =	sadd.s32 $0xFFFFFFFF, s22;
	[sflag:s20] =	ssyncadd.s32 $0xFFFF0000  }
0x5a: {  	[tilespmem:s3], [sflag:$0x2] =	stream.linear.gather [hbm4b:s1+s3], $0x10000, $0x38;
	[tilespmem:$0x10000] =	vst v63  }
0x5b: {  	_ =	swait.ge [sflag:s4], $0x10000  }
0x5c: {  	[sflag:s4] =	ssyncset.done $0x0  }
0x5d: {  	[sflag:s4] =	ssyncadd.s32 $0xFFFF0000  }
0x5e: {  	[hbm4b:s5+s3] =	stream.linear.scatter [tilespmem:s3], [sflag:$0x1], $0x10000, $0x38;
	[tilespmem:$0x10000] =	vst v63  }
0x5f: {  	_ = 	snop  }
0x60: {  	[hbm4b:s6+s3] =	stream.linear.scatter [tilespmem:s3], [sflag:$0x1], $0x10000, $0x38;
	[tilespmem:$0x10000] =	vst v63  }
0x61: {  	_ = 	snop  }
0x62: {  	[hbm4b:s7+s3] =	stream.linear.scatter [tilespmem:s3], [sflag:$0x1], $0x10000, $0x38;
	[tilespmem:$0x10000] =	vst v63  }
0x63: {  	_ = 	snop  }
0x64: {  	[hbm4b:s8+s3] =	stream.linear.scatter [tilespmem:s3], [sflag:$0x1], $0x10000, $0x38;
	[tilespmem:$0x10000] =	vst v63  }
0x65: {  	_ = 	snop  }
0x66: {  	[hbm4b:s9+s3] =	stream.linear.scatter [tilespmem:s3], [sflag:$0x1], $0x10000, $0x38;
	[tilespmem:$0x10000] =	vst v63  }
0x67: {  	_ = 	snop  }
0x68: {  	[hbm4b:s10+s3] =	stream.linear.scatter [tilespmem:s3], [sflag:$0x1], $0x10000, $0x38;
	[tilespmem:$0x10000] =	vst v63  }
0x69: {  	_ = 	snop  }
0x6a: {  	[hbm4b:s11+s3] =	stream.linear.scatter [tilespmem:s3], [sflag:$0x1], $0x10000, $0x38;
	[tilespmem:$0x10000] =	vst v63  }
0x6b: {  	_ = 	snop  }
0x6c: {  	[hbm4b:s12+s3] =	stream.linear.scatter [tilespmem:s3], [sflag:$0x1], $0x10000, $0x38;
	[tilespmem:$0x10000] =	vst v63  }
0x6d: {  	_ = 	snop  }
0x6e: {  	[hbm4b:s13+s3] =	stream.linear.scatter [tilespmem:s3], [sflag:$0x1], $0x10000, $0x38;
	[tilespmem:$0x10000] =	vst v63  }
0x6f: {  	_ = 	snop  }
0x70: {  	[hbm4b:s14+s3] =	stream.linear.scatter [tilespmem:s3], [sflag:$0x1], $0x10000, $0x38;
	[tilespmem:$0x10000] =	vst v63  }
0x71: {  	_ = 	snop  }
0x72: {  	[hbm4b:s15+s3] =	stream.linear.scatter [tilespmem:s3], [sflag:$0x1], $0x10000, $0x38;
	[tilespmem:$0x10000] =	vst v63  }
0x73: {  	_ = 	snop  }
0x74: {  	[hbm4b:s16+s3] =	stream.linear.scatter [tilespmem:s3], [sflag:$0x1], $0x10000, $0x38;
	[tilespmem:$0x10000] =	vst v63  }
0x75: {  	_ = 	snop  }
0x76: {  	[hbm4b:s17+s3] =	stream.linear.scatter [tilespmem:s3], [sflag:$0x1], $0x10000, $0x38;
	[tilespmem:$0x10000] =	vst v63  }
0x77: {  	_ = 	snop  }
0x78: {  	[hbm4b:s18+s3] =	stream.linear.scatter [tilespmem:s3], [sflag:$0x1], $0x10000, $0x38;
	[tilespmem:$0x10000] =	vst v63  }
0x79: {  	_ = 	snop  }
0x7a: {  	[hbm4b:s19+s3] =	stream.linear.scatter [tilespmem:s3], [sflag:$0x1], $0x10000, $0x38;
	[tilespmem:$0x10000] =	vst v63  }
0x7b: {  	_ = 	snop  }
0x7c: {  	[hbm4b:s21+s3] =	stream.linear.scatter [tilespmem:s3], [sflag:$0x1], $0x10000, $0x38;
	[tilespmem:$0x10000] =	vst v63  }
0x7d: {  	_ =	swait.ge [sflag:s20], $0x10000  }
0x7e: {  	[sflag:s20] =	ssyncset.done $0x0  }
0x7f: {  	[sflag:s20] =	ssyncadd.s32 $0xFFFF0000  }
0x80: {  	_ =	swait.ge [sflag:s20], $0x10000  }
0x81: {  	[sflag:s20] =	ssyncset.done $0x0  }
0x82: {  	[sflag:s20] =	ssyncadd.s32 $0xFFFF0000  }
0x83: {  	_ =	swait.ge [sflag:s20], $0x10000  }
0x84: {  	[sflag:s20] =	ssyncset.done $0x0  }
0x85: {  	[sflag:s20] =	ssyncadd.s32 $0xFFFF0000  }
0x86: {  	_ =	swait.ge [sflag:s20], $0x10000  }
0x87: {  	[sflag:s20] =	ssyncset.done $0x0  }
0x88: {  	[sflag:s20] =	ssyncadd.s32 $0xFFFF0000  }
0x89: {  	_ =	swait.ge [sflag:s20], $0x10000  }
0x8a: {  	[sflag:s20] =	ssyncset.done $0x0  }
0x8b: {  	[sflag:s20] =	ssyncadd.s32 $0xFFFF0000  }
0x8c: {  	_ =	swait.ge [sflag:s20], $0x10000  }
0x8d: {  	[sflag:s20] =	ssyncset.done $0x0  }
0x8e: {  	[sflag:s20] =	ssyncadd.s32 $0xFFFF0000  }
0x8f: {  	_ =	swait.ge [sflag:s20], $0x10000  }
0x90: {  	[sflag:s20] =	ssyncset.done $0x0  }
0x91: {  	[sflag:s20] =	ssyncadd.s32 $0xFFFF0000  }
0x92: {  	_ =	swait.ge [sflag:s20], $0x10000  }
0x93: {  	[sflag:s20] =	ssyncset.done $0x0  }
0x94: {  	[sflag:s20] =	ssyncadd.s32 $0xFFFF0000  }
0x95: {  	_ =	swait.ge [sflag:s20], $0x10000  }
0x96: {  	[sflag:s20] =	ssyncset.done $0x0  }
0x97: {  	[sflag:s20] =	ssyncadd.s32 $0xFFFF0000  }
0x98: {  	_ =	swait.ge [sflag:s20], $0x10000  }
0x99: {  	[sflag:s20] =	ssyncset.done $0x0  }
0x9a: {  	[sflag:s20] =	ssyncadd.s32 $0xFFFF0000  }
0x9b: {  	_ =	swait.ge [sflag:s20], $0x10000  }
0x9c: {  	[sflag:s20] =	ssyncset.done $0x0  }
0x9d: {  	[sflag:s20] =	ssyncadd.s32 $0xFFFF0000  }
0x9e: {  	_ =	swait.ge [sflag:s20], $0x10000  }
0x9f: {  	[sflag:s20] =	ssyncset.done $0x0  }
0xa0: {  	[sflag:s20] =	ssyncadd.s32 $0xFFFF0000  }
0xa1: {  	_ =	swait.ge [sflag:s20], $0x10000  }
0xa2: {  	[sflag:s20] =	ssyncset.done $0x0  }
0xa3: {  	[sflag:s20] =	ssyncadd.s32 $0xFFFF0000  }
0xa4: {  	_ =	swait.ge [sflag:s20], $0x10000  }
0xa5: {  	[sflag:s20] =	ssyncset.done $0x0  }
0xa6: {  	[sflag:s20] =	ssyncadd.s32 $0xFFFF0000  }
.Ltmp1:
0xa7: {  	_ =	swait.ge [sflag:s20], $0x10000;
	(pc) =	sbr.rel @p0 .LBB2_1-.Ltmp1, $4  }
0xa8: {  	[sflag:s20] =	ssyncset.done $0x0  }
0xa9: {  	[sflag:s20] =	ssyncadd.s32 $0xFFFF0000  }
0xaa: {  	_ =	swait.ge [sflag:s20], $0x10000  }
0xab: {  	[sflag:s20] =	ssyncset.done $0x0  }
.LBB2_2:
0xac: {  	[sflag:s20] =	ssyncadd.s32 $0xFFFF0000  }
0xad: {  	_ =	sfence.sel $0x180000  }
0xae: {  	[bflag:$0x0] =	sbarrier.arrive $0xFFFF  }
0xaf: {  	p0 =	sne.s32 s2, $0x0;
	_ =	strace $0x90000047  }
0xb0: {  	s0 =	sadd.s32 @!p0 $0x100000, s0;
	[bflag:$0x2] =	sbarrier.arrive $0xFFFF  }
0xb1: {  	[sflag:s0] =	ssyncadd.tile.s32 @!p0 $0x1;
	_ =	shalt  }
.Lfunc_end2:
_tile_overlayer_lowered:
.L_overlay_start_2:
0xb2: {  	(tag) =	ssettag $0x2  }
0xb3: {  	s0 =	rddreg [dreg:$0x0];
	s2 =	stileid.u32  }
0xb4: {  	s1 =	rddreg [dreg:$0x1];
	p0 =	sne.s32 s2, $0x0  }
0xb5: {  	s3 =	rddreg [dreg:$0x2];
	[bflag:$0x3] =	sbarrier.arrive $0xFFFF;
	s2 =	simm.s32 @!p0 $0x1C02  }
0xb6: {  	[timem:s3], [sflag:s2] =	dma.local @!p0 [hbm:s0], s1  }
0xb7: {  	s0 =	simm.s32 @!p0 $0x2  }
0xb8: {  	_ =	swait.ge @!p0 [sflag:s0], s1  }
0xb9: {  	s1 =	ssub.s32 @!p0 $0x0, s1;
	[sflag:s0] =	ssyncset.done @!p0 $0x0  }
0xba: {  	[sflag:s0] =	ssyncadd.s32 @!p0 s1  }
0xbb: {  	[bflag:$0x3] =	sbarrier.arrive $0xFFFF  }
0xbc: {  	_ =	shalt  }

// kernel: kernel.8.cloned.1.call-start
scs
__scs_entry_jumppad:
0x0: {  	(pc) =	sbr.rel $0x88, $3  }
0x1: {  	(tag) =	ssettag $0x0;
	lr =	simm.s32 $0x1  }
0x2: {  	[smem:$0x3F9F] =	sst lr;
	_ =	strace $0xD0000000  }
0x3: {  	_ = 	snop  }
0x4: {  	_ = 	snop  }
0x5: {  	_ = 	snop  }
0x6: {  	_ = 	snop  }
0x7: {  	_ = 	snop  }
__scs_overlays_trampoline_lowered:
0x8: {  	[smem:$0x3FAE] =	sst s0  }
0x9: {  	[smem:$0x3FAF] =	sst s1  }
0xa: {  	[smem:$0x3FB0] =	sst s2  }
0xb: {  	[smem:$0x3FB1] =	sst s3  }
0xc: {  	[smem:$0x3FB2] =	sst s4  }
0xd: {  	[smem:$0x3FB3] =	sst s5  }
0xe: {  	[smem:$0x3FB4] =	sst s6  }
0xf: {  	[smem:$0x3FB5] =	sst s7  }
0x10: {  	[smem:$0x3FB6] =	sst s8  }
0x11: {  	[smem:$0x3FB7] =	sst s9;
	s0 =	simm.s32 @!p0 $0x0  }
0x12: {  	s1 =	sld [smem:$0x3F9D];
	s0 =	simm.s32 @p0 $0x1  }
0x13: {  	[smem:$0x3FB8] =	sst s0;
	s0 =	simm.s32 @!p1 $0x0  }
0x14: {  	s2 =	sld [smem:$0x3F9C];
	s0 =	simm.s32 @p1 $0x1  }
0x15: {  	[smem:$0x3FB9] =	sst s0;
	s0 =	simm.s32 @!p2 $0x0  }
0x16: {  	s3 =	sld [smem:$0x3FDB];
	s0 =	simm.s32 @p2 $0x1  }
0x17: {  	s4 =	simm.s32 $0x1BF5;
	[smem:$0x3FBB] =	sst s0  }
0x18: {  	s0 =	sld [smem:$0x3F9E];
	_ =	swait.ge [sflag:s4], $0x0  }
0x19: {  	s7 =	sld [smem:$0x3F9F]  }
0x1a: {  	s8 =	sadd.s32 $0xFFFFE003, lr  }
0x1b: {  	s9 =	sadd.s32 $0xFFFFFEF7, lr;
	s5 =	simm.s32 $0xFFFFFFFF;
	p2 =	slt.u32 s8, $0xFFFFF086  }
0x1c: {  	p1 =	slt.u32 s9, $0xF7A;
	s5 =	simm.s32 @!p2 $0x0  }
0x1d: {  	s5 =	simm.s32 @p1 $0x1;
	p0 =	seq.s32 s7, s2  }
0x1e: {  	s7 =	smul.u32 @!p0 $0xF7A, s2;
	p2 =	seq.s32 @!p0 s5, $0x0  }
0x1f: {  	s9 =	smul.u32 $0xF7A, s1;
	s8 =	simm.s32 @!p0 $0x1BF5;
	p2 =	por !p2, p0  }
0x20: {  	[sflag:s8] =	ssyncset.s32 @!p0 $0xFFFFF086;
	s6 =	sadd.s32 @!p0 s3, s7;
	s7 =	simm.s32 @!p0 $0x108  }
0x21: {  	s3 =	sadd.s32 s3, s9;
	s6 =	sadd.s32 @!p0 $0x88, s6;
	s7 =	simm.s32 @p2 $0x1082  }
0x22: {  	[simem:s7], [sflag:s8] =	dma.local @!p0 [hbm:s6], $0xF7A  }
0x23: {  	s9 =	sor.u32 $0xD0000000, s2;
	s6 =	simm.s32 $0x108;
	_ =	swait.ge @!p0 [sflag:s8], $0x0  }
0x24: {  	s3 =	sadd.s32 $0x88, s3;
	s6 =	simm.s32 @!p1 $0x1082;
	[sflag:s4] =	ssyncset.s32 $0xFFFFF086  }
0x25: {  	[simem:s6], [sflag:s4] =	dma.local [hbm:s3], $0xF7A  }
0x26: {  	[smem:$0x3F9F] =	sst s1;
	(tag) =	ssettag s2;
	_ =	strace s9  }
0x27: {  	s1 =	sld [smem:$0x3FAF]  }
0x28: {  	s2 =	sld [smem:$0x3FB0]  }
0x29: {  	s4 =	sld [smem:$0x3FB2]  }
0x2a: {  	p0 =	seq.s32 s5, $0x0;
	s5 =	sld [smem:$0x3FB3]  }
0x2b: {  	s6 =	sld [smem:$0x3FB4]  }
0x2c: {  	s7 =	sld [smem:$0x3FB5]  }
0x2d: {  	s3 =	simm.s32 $0x108;
	s8 =	sld [smem:$0x3FB6]  }
0x2e: {  	s3 =	simm.s32 @!p0 $0x1082;
	s9 =	sld [smem:$0x3FB7]  }
0x2f: {  	lr =	sadd.s32 s0, s3;
	s0 =	sld [smem:$0x3FAE]  }
0x30: {  	s3 =	sld [smem:$0x3FB1]  }
0x31: {  	[smem:$0x3FBA] =	sst s10  }
0x32: {  	s10 =	sld [smem:$0x3FB8];
	_ =	sdelay $0x3  }
0x33: {  	p0 =	seq.s32 s10, $0x1;
	s10 =	sld [smem:$0x3FBA];
	_ =	sdelay $0x3  }
0x34: {  	[smem:$0x3FBA] =	sst s10  }
0x35: {  	s10 =	sld [smem:$0x3FB9];
	_ =	sdelay $0x3  }
0x36: {  	p1 =	seq.s32 s10, $0x1;
	s10 =	sld [smem:$0x3FBA];
	_ =	sdelay $0x3  }
0x37: {  	[smem:$0x3FBA] =	sst s10  }
0x38: {  	s10 =	sld [smem:$0x3FBB]  }
0x39: {  	_ = 	snop;
	(pc) =	sbr.ind lr, $3  }
0x3a: {  	_ = 	snop  }
0x3b: {  	_ = 	snop  }
0x3c: {  	p2 =	seq.s32 s10, $0x1;
	s10 =	sld [smem:$0x3FBA]  }
0x3d: {  	_ =	shalt  }
0x3e: {  	_ =	shalt  }
0x3f: {  	_ =	shalt  }
0x40: {  	_ =	shalt  }
0x41: {  	_ =	shalt  }
0x42: {  	_ =	shalt  }
0x43: {  	_ =	shalt  }
0x44: {  	_ =	shalt  }
0x45: {  	_ =	shalt  }
0x46: {  	_ =	shalt  }
0x47: {  	_ =	shalt  }
0x48: {  	_ =	shalt  }
0x49: {  	_ =	shalt  }
0x4a: {  	_ =	shalt  }
0x4b: {  	_ =	shalt  }
0x4c: {  	_ =	shalt  }
0x4d: {  	_ =	shalt  }
0x4e: {  	_ =	shalt  }
0x4f: {  	_ =	shalt  }
0x50: {  	_ =	shalt  }
0x51: {  	_ =	shalt  }
0x52: {  	_ =	shalt  }
0x53: {  	_ =	shalt  }
0x54: {  	_ =	shalt  }
0x55: {  	_ =	shalt  }
0x56: {  	_ =	shalt  }
0x57: {  	_ =	shalt  }
0x58: {  	_ =	shalt  }
0x59: {  	_ =	shalt  }
0x5a: {  	_ =	shalt  }
0x5b: {  	_ =	shalt  }
0x5c: {  	_ =	shalt  }
0x5d: {  	_ =	shalt  }
0x5e: {  	_ =	shalt  }
0x5f: {  	_ =	shalt  }
0x60: {  	_ =	shalt  }
0x61: {  	_ =	shalt  }
0x62: {  	_ =	shalt  }
0x63: {  	_ =	shalt  }
0x64: {  	_ =	shalt  }
0x65: {  	_ =	shalt  }
0x66: {  	_ =	shalt  }
0x67: {  	_ =	shalt  }
0x68: {  	_ =	shalt  }
0x69: {  	_ =	shalt  }
0x6a: {  	_ =	shalt  }
0x6b: {  	_ =	shalt  }
0x6c: {  	_ =	shalt  }
0x6d: {  	_ =	shalt  }
0x6e: {  	_ =	shalt  }
0x6f: {  	_ =	shalt  }
0x70: {  	_ =	shalt  }
0x71: {  	_ =	shalt  }
0x72: {  	_ =	shalt  }
0x73: {  	_ =	shalt  }
0x74: {  	_ =	shalt  }
0x75: {  	_ =	shalt  }
0x76: {  	_ =	shalt  }
0x77: {  	_ =	shalt  }
0x78: {  	_ =	shalt  }
0x79: {  	_ =	shalt  }
0x7a: {  	_ =	shalt  }
0x7b: {  	_ =	shalt  }
0x7c: {  	_ =	shalt  }
0x7d: {  	_ =	shalt  }
0x7e: {  	_ =	shalt  }
0x7f: {  	_ =	shalt  }
0x80: {  	_ =	shalt  }
0x81: {  	_ =	shalt  }
0x82: {  	_ =	shalt  }
0x83: {  	_ =	shalt  }
0x84: {  	_ =	shalt  }
0x85: {  	_ =	shalt  }
0x86: {  	_ =	shalt  }
0x87: {  	_ =	shalt  }
.Lfunc_end0:
.L_simem_size_0:
called_computation.1_lowered:
.L_overlay_start_0:
0x88: {  	s2 =	sld [smem:$0x3FD9]  }
0x89: {  	s3 =	sld [smem:$0x3FFE];
	_ =	sdelay $0x1  }
0x8a: {  	s1 =	srdreg.scid  }
0x8b: {  	s0 =	sand.u32 $0x1, s1  }
0x8c: {  	s14 =	sshll.u32 s0, $0xA;
	s2 =	sadd.s32 s3, s2  }
0x8d: {  	s2 =	sadd.s32 s2, s14  }
0x8e: {  	[smem:$0x3FC6] =	sst s2  }
0x8f: {  	_ = 	snop  }
0x90: {  	s2 =	sld [smem:$0x3FD0];
	_ =	sdelay $0x2  }
0x91: {  	s15 =	simm.s32 $0xA;
	s4 =	simm.s32 $0x10  }
0x92: {  	[smem:s4], [sflag:s15] =	dma.local [hbm:s2], $0x1  }
0x93: {  	_ =	swait.eq [sflag:s15], $0x1  }
0x94: {  	[sflag:s15] =	ssyncset.done $0x0  }
0x95: {  	[sflag:s15] =	ssyncadd.s32 $0xFFFFFFFF  }
0x96: {  	s16 =	sld [smem:$0x14];
	(tm) =	ssettm $0x1  }
0x97: {  	s17 =	sld [smem:$0x3FFB];
	_ =	sdelay $0x3  }
0x98: {  	_ =	strace s17  }
0x99: {  	s3 =	sld [smem:$0x3FFC];
	_ =	sdelay $0x3  }
0x9a: {  	_ =	strace s3  }
0x9b: {  	s3 =	sld [smem:$0x3FFD];
	_ =	sdelay $0x3  }
0x9c: {  	_ =	strace s3  }
0x9d: {  	_ =	strace $0x8FFFFFFF  }
0x9e: {  	s18 =	sld [smem:$0x3FDB];
	_ =	sdelay $0x1  }
0x9f: {  	s19 =	simm.s32 $_scs_section_size  }
0xa0: {  	s5 =	simm.s32 $_size__tile_overlayer_lowered;
	s6 =	simm.s32 $_tile_overlayer_lowered  }
0xa1: {  	s22 =	simm.s32 $0x1BFF;
	s21 =	sshll.u32 s6, $0x1;
	s3 =	sadd.s32 s19, s18  }
0xa2: {  	s7 =	simm.s32 $0x0;
	s20 =	sshll.u32 s5, $0x1;
	s5 =	sadd.s32 s21, s3  }
0xa3: {  	[timem:s7], [sflag:s22] =	dma.local [hbm:s5], s20  }
0xa4: {  	_ =	swait.ge [sflag:s22], s20  }
0xa5: {  	s4 =	ssub.s32 $0x0, s20;
	[sflag:s22] =	ssyncset.done $0x0  }
0xa6: {  	[sflag:s22] =	ssyncadd.s32 s4;
	_ =	sdelay $0x1  }
0xa7: {  	s23 =	simm.s32 $0x1B8B  }
0xa8: {  	_ =	swait.ge [sflag:s23], $0x1  }
0xa9: {  	[sflag:s23] =	ssyncset.done $0x0  }
0xaa: {  	s25 =	simm.s32 $0x1B8E;
	s24 =	sld [smem:$0x3FFE];
	[sflag:s23] =	ssyncadd.s32 $0xFFFFFFFF  }
0xab: {  	s26 =	simm.s32 $execute0_lowered;
	[smem:$0x3FD2] =	sst s25  }
0xac: {  	s5 =	sshll.u32 s26, $0x1;
	_ =	strace $0x80000049;
	[dreg:$0x1] =	wrdreg $0xFFFFFFFF  }
0xad: {  	s28 =	simm.s32 $_size_execute0_lowered;
	s3 =	sadd.s32 s3, s5;
	[dreg:$0x0] =	wrdreg $0x0  }
0xae: {  	s5 =	sshll.u32 s28, $0x1;
	[dreg:$0x2] =	wrdreg s3  }
0xaf: {  	[dreg:$0x3] =	wrdreg s5  }
0xb0: {  	[dreg:$0x4] =	wrdreg $0xC0  }
0xb1: {  	_ =	task [dreg:s7], $0x5FFFF  }
0xb2: {  	[dreg:$0x1] =	wrdreg $0xFFFFFFFF  }
0xb3: {  	[dreg:$0x0] =	wrdreg $0x60  }
0xb4: {  	[dreg:$0x2] =	wrdreg s24  }
0xb5: {  	[dreg:$0x3] =	wrdreg s16  }
0xb6: {  	[dreg:$0x4] =	wrdreg $0x9  }
0xb7: {  	_ =	task.clear_ibuf [dreg:s7], $0x5FFFF;
	_ =	strace $0x90000049  }
0xb8: {  	s29 =	simm.s32 $0x9;
	_ =	strace $0x8000004B  }
0xb9: {  	_ =	swait.ge [sflag:s29], $0x1  }
0xba: {  	[sflag:s29] =	ssyncadd.s32 $0xFFFFFFFF  }
0xbb: {  	_ =	strace $0x9000004B  }
0xbc: {  	_ =	sfence  }
0xbd: {  	s30 =	sld [smem:$0x0];
	_ =	sdelay $0x2  }
0xbe: {  	s31 =	sshll.u32 s1, $0xD;
	s1 =	sshrl.u32 s1, $0x2  }
0xbf: {  	s3 =	sand.u32 $0x4000, s31;
	s1 =	sadd.s32 s1, s30  }
0xc0: {  	s0 =	sor.u32 s3, s0;
	s1 =	sshll.u32 s1, $0x11  }
0xc1: {  	s0 =	sor.u32 s1, s0  }
0xc2: {  	s0 =	sadd.s32 $0x8F2B, s0  }
0xc3: {  	[sflag:s0] =	ssyncadd.remote.s32 $0x1  }
0xc4: {  	_ =	sfence.sel $0xFFFF  }
0xc5: {  	[dreg:$0x0] =	wrdreg $0xFFFFFFFF;
	(pc) =	sbr.abs _section_cstart, $3  }
0xc6: {  	[dreg:$0x1] =	wrdreg $0xFFFFFFFF  }
0xc7: {  	_ =	task.clear_ibuf [dreg:s7], $0x2FFFF;
	_ =	strace $0x9FFFFFFF  }
0xc8: {  	(tm) =	ssettm $0x7FFFFFFF  }
0xc9: {  	_ =	shalt  }
tec
execute0_lowered:
.L_overlay_start_1:
0x0: {  	(tag) =	ssettag $0x1  }
0x1: {  	s1 =	srdreg.scid  }
0x2: {  	s0 =	stileid.u32;
	s3 =	sand.u32 $0x1, s1  }
0x3: {  	s25 =	sshll.u32 s0, $0xB;
	s2 =	sshll.u32 s3, $0xA  }
0x4: {  	v0 =	vlaneseq.u32;
	s5 =	sor.u32 s2, s25  }
0x5: {  	v58 =	vmul.u32 $0x400, v0;
	v1 =	vmov s5  }
0x6: {  	v0 =	vshll.u32 v1, $0xA  }
0x7: {  	s1 =	sor.u32 $0x10, s5;
	v0 =	vor.u32 v58, v0  }
0x8: {  	[tilespmem:$0x1FF90] =	vst v0;
	v0 =	vmov s1  }
0x9: {  	s26 =	sor.u32 $0x20, s5;
	v0 =	vshll.u32 v0, $0xA  }
0xa: {  	s2 =	sor.u32 $0x30, s5;
	v2 =	vmov s26;
	v0 =	vor.u32 v58, v0  }
0xb: {  	v3 =	vmov s2;
	[tilespmem:$0x1FFA0] =	vst v0;
	v0 =	vshll.u32 v2, $0xA  }
0xc: {  	v3 =	vshll.u32 v3, $0xA;
	v0 =	vor.u32 v58, v0  }
0xd: {  	s28 =	sor.u32 $0x40, s5;
	[tilespmem:$0x1FFB0] =	vst v0;
	v0 =	vor.u32 v58, v3  }
0xe: {  	[tilespmem:$0x1FFC0] =	vst v0;
	v0 =	vmov s28  }
0xf: {  	s29 =	sor.u32 $0x50, s5;
	v0 =	vshll.u32 v0, $0xA  }
0x10: {  	s30 =	sor.u32 $0x60, s5;
	v5 =	vmov s29;
	v0 =	vor.u32 v58, v0  }
0x11: {  	v6 =	vmov s30;
	[tilespmem:$0x1FFD0] =	vst v0;
	v0 =	vshll.u32 v5, $0xA  }
0x12: {  	v6 =	vshll.u32 v6, $0xA;
	v0 =	vor.u32 v58, v0  }
0x13: {  	s31 =	sor.u32 $0x70, s5;
	[tilespmem:$0x1FFE0] =	vst v0;
	v0 =	vor.u32 v58, v6  }
0x14: {  	s4 =	sor.u32 $0x90, s5;
	s2 =	sor.u32 $0x80, s5;
	[tilespmem:$0x1FFF0] =	vst v0;
	v0 =	vmov s31  }
0x15: {  	s7 =	sor.u32 $0xB0, s5;
	v9 =	vmov s4;
	v8 =	vmov s2;
	v0 =	vshll.u32 v0, $0xA  }
0x16: {  	s6 =	sor.u32 $0xA0, s5;
	s8 =	sor.u32 $0xC0, s5;
	v11 =	vmov s7;
	v7 =	vor.u32 v58, v0;
	v0 =	vshll.u32 v8, $0xA  }
0x17: {  	s10 =	sor.u32 $0xE0, s5;
	s11 =	sor.u32 $0xF0, s5;
	v12 =	vmov s8;
	v8 =	vor.u32 v58, v0;
	v0 =	vmov s6  }
0x18: {  	s13 =	sor.u32 $0x110, s5;
	v14 =	vmov s10;
	v15 =	vmov s11;
	v0 =	vshll.u32 v0, $0xA  }
0x19: {  	s9 =	sor.u32 $0xD0, s5;
	s14 =	sor.u32 $0x120, s5;
	v17 =	vmov s13;
	v10 =	vor.u32 v58, v0;
	v0 =	vshll.u32 v11, $0xA  }
0x1a: {  	s16 =	sor.u32 $0x140, s5;
	s17 =	sor.u32 $0x150, s5;
	v18 =	vmov s14;
	v11 =	vor.u32 v58, v0;
	v0 =	vmov s9  }
0x1b: {  	s19 =	sor.u32 $0x170, s5;
	v20 =	vmov s16;
	v21 =	vmov s17;
	v0 =	vshll.u32 v0, $0xA  }
0x1c: {  	s12 =	sor.u32 $0x100, s5;
	s20 =	sor.u32 $0x180, s5;
	v23 =	vmov s19;
	v13 =	vor.u32 v58, v0;
	v0 =	vshll.u32 v14, $0xA  }
0x1d: {  	s22 =	sor.u32 $0x1A0, s5;
	s23 =	sor.u32 $0x1B0, s5;
	v24 =	vmov s20;
	v14 =	vor.u32 v58, v0;
	v0 =	vmov s12  }
0x1e: {  	s25 =	sor.u32 $0x1D0, s5;
	v26 =	vmov s22;
	v27 =	vmov s23;
	v0 =	vshll.u32 v0, $0xA  }
0x1f: {  	s15 =	sor.u32 $0x130, s5;
	v29 =	vmov s25;
	v16 =	vor.u32 v58, v0;
	v0 =	vshll.u32 v17, $0xA  }
0x20: {  	v9 =	vshll.u32 v9, $0xA;
	v17 =	vor.u32 v58, v0;
	v0 =	vmov s15  }
0x21: {  	v12 =	vshll.u32 v12, $0xA;
	v15 =	vshll.u32 v15, $0xA;
	v0 =	vshll.u32 v0, $0xA  }
0x22: {  	s18 =	sor.u32 $0x160, s5;
	v18 =	vshll.u32 v18, $0xA;
	v19 =	vor.u32 v58, v0;
	v0 =	vshll.u32 v20, $0xA  }
0x23: {  	v21 =	vshll.u32 v21, $0xA;
	v20 =	vor.u32 v58, v0;
	v0 =	vmov s18  }
0x24: {  	s26 =	sor.u32 $0x1E0, s5;
	v24 =	vshll.u32 v24, $0xA;
	v27 =	vshll.u32 v27, $0xA;
	v0 =	vshll.u32 v0, $0xA  }
0x25: {  	s21 =	sor.u32 $0x190, s5;
	s29 =	sor.u32 $0x200, s5;
	v30 =	vmov s26;
	v22 =	vor.u32 v58, v0;
	v0 =	vshll.u32 v23, $0xA  }
0x26: {  	s30 =	sor.u32 $0x210, s5;
	s4 =	sor.u32 $0x240, s5;
	v32 =	vmov s29;
	v23 =	vor.u32 v58, v0;
	v0 =	vmov s21  }
0x27: {  	s7 =	sor.u32 $0x260, s5;
	v33 =	vmov s30;
	v36 =	vmov s4;
	v0 =	vshll.u32 v0, $0xA  }
0x28: {  	s24 =	sor.u32 $0x1C0, s5;
	s8 =	sor.u32 $0x270, s5;
	v38 =	vmov s7;
	v25 =	vor.u32 v58, v0;
	v0 =	vshll.u32 v26, $0xA  }
0x29: {  	s10 =	sor.u32 $0x290, s5;
	s11 =	sor.u32 $0x2A0, s5;
	v39 =	vmov s8;
	v26 =	vor.u32 v58, v0;
	v0 =	vmov s24  }
0x2a: {  	s13 =	sor.u32 $0x2C0, s5;
	v41 =	vmov s10;
	v42 =	vmov s11;
	v0 =	vshll.u32 v0, $0xA  }
0x2b: {  	s14 =	sor.u32 $0x2D0, s5;
	v44 =	vmov s13;
	s28 =	sor.u32 $0x1F0, s5;
	v28 =	vor.u32 v58, v0;
	v0 =	vshll.u32 v29, $0xA  }
0x2c: {  	s16 =	sor.u32 $0x2F0, s5;
	s17 =	sor.u32 $0x300, s5;
	v45 =	vmov s14;
	v29 =	vor.u32 v58, v0;
	v0 =	vmov s28  }
0x2d: {  	s19 =	sor.u32 $0x320, s5;
	v47 =	vmov s16;
	v48 =	vmov s17;
	v0 =	vshll.u32 v0, $0xA  }
0x2e: {  	s20 =	sor.u32 $0x330, s5;
	v50 =	vmov s19;
	s31 =	sor.u32 $0x220, s5;
	v31 =	vor.u32 v58, v0;
	v0 =	vshll.u32 v32, $0xA  }
0x2f: {  	s22 =	sor.u32 $0x350, s5;
	s2 =	sor.u32 $0x230, s5;
	v51 =	vmov s20;
	v32 =	vor.u32 v58, v0;
	v0 =	vmov s31  }
0x30: {  	s23 =	sor.u32 $0x360, s5;
	v53 =	vmov s22;
	v35 =	vmov s2;
	v0 =	vshll.u32 v0, $0xA  }
0x31: {  	v54 =	vmov s23;
	s6 =	sor.u32 $0x250, s5;
	v34 =	vor.u32 v58, v0;
	v0 =	vshll.u32 v35, $0xA  }
0x32: {  	v9 =	vor.u32 v58, v9;
	v35 =	vor.u32 v58, v0;
	v0 =	vmov s6  }
0x33: {  	v12 =	vor.u32 v58, v12;
	v15 =	vor.u32 v58, v15;
	v0 =	vshll.u32 v0, $0xA  }
0x34: {  	v18 =	vor.u32 v58, v18;
	s9 =	sor.u32 $0x280, s5;
	v37 =	vor.u32 v58, v0;
	v0 =	vshll.u32 v38, $0xA  }
0x35: {  	v21 =	vor.u32 v58, v21;
	v38 =	vor.u32 v58, v0;
	v0 =	vmov s9  }
0x36: {  	v24 =	vor.u32 v58, v24;
	v27 =	vor.u32 v58, v27;
	v0 =	vshll.u32 v0, $0xA  }
0x37: {  	v30 =	vshll.u32 v30, $0xA;
	s12 =	sor.u32 $0x2B0, s5;
	v40 =	vor.u32 v58, v0;
	v0 =	vshll.u32 v41, $0xA  }
0x38: {  	v33 =	vshll.u32 v33, $0xA;
	v41 =	vor.u32 v58, v0;
	v0 =	vmov s12  }
0x39: {  	v36 =	vshll.u32 v36, $0xA;
	v39 =	vshll.u32 v39, $0xA;
	v0 =	vshll.u32 v0, $0xA  }
0x3a: {  	v42 =	vshll.u32 v42, $0xA;
	s15 =	sor.u32 $0x2E0, s5;
	v43 =	vor.u32 v58, v0;
	v0 =	vshll.u32 v44, $0xA  }
0x3b: {  	v45 =	vshll.u32 v45, $0xA;
	v44 =	vor.u32 v58, v0;
	v0 =	vmov s15  }
0x3c: {  	v48 =	vshll.u32 v48, $0xA;
	v51 =	vshll.u32 v51, $0xA;
	v0 =	vshll.u32 v0, $0xA  }
0x3d: {  	s8 =	sor.u32 $0x390, s5;
	v54 =	vshll.u32 v54, $0xA;
	s18 =	sor.u32 $0x310, s5;
	v46 =	vor.u32 v58, v0;
	v0 =	vshll.u32 v47, $0xA  }
0x3e: {  	s29 =	sor.u32 $0x3B0, s5;
	s10 =	sor.u32 $0x3C0, s5;
	v57 =	vmov s8;
	v47 =	vor.u32 v58, v0;
	v0 =	vmov s18  }
0x3f: {  	v60 =	vmov s29;
	v61 =	vmov s10;
	v0 =	vshll.u32 v0, $0xA  }
0x40: {  	v30 =	vor.u32 v58, v30;
	s21 =	sor.u32 $0x340, s5;
	v49 =	vor.u32 v58, v0;
	v0 =	vshll.u32 v50, $0xA  }
0x41: {  	v33 =	vor.u32 v58, v33;
	v50 =	vor.u32 v58, v0;
	v0 =	vmov s21  }
0x42: {  	v36 =	vor.u32 v58, v36;
	v39 =	vor.u32 v58, v39;
	v0 =	vshll.u32 v0, $0xA  }
0x43: {  	s7 =	sor.u32 $0x370, s5;
	v42 =	vor.u32 v58, v42;
	v52 =	vor.u32 v58, v0;
	v0 =	vshll.u32 v53, $0xA  }
0x44: {  	s4 =	rddreg [dreg:$0x0];
	s26 =	sor.u32 $0x3A0, s5;
	v45 =	vor.u32 v58, v45;
	s24 =	sor.u32 $0x380, s5;
	v53 =	vor.u32 v58, v0;
	v0 =	vmov s7  }
0x45: {  	s30 =	sor.u32 $0x3D0, s5;
	s11 =	simm.s32 $0x500;
	s13 =	simm.s32 $0x600;
	v48 =	vor.u32 v58, v48;
	v56 =	vmov s24;
	v0 =	vshll.u32 v0, $0xA  }
0x46: {  	s14 =	simm.s32 $0x680;
	s16 =	simm.s32 $0x780;
	s17 =	simm.s32 $0x1;
	v51 =	vor.u32 v58, v51;
	v55 =	vor.u32 v58, v0;
	v0 =	vshll.u32 v56, $0xA  }
0x47: {  	s1 =	rddreg [dreg:$0x2];
	s2 =	simm.s32 $0x0;
	s8 =	simm.s32 $0x400;
	v54 =	vor.u32 v58, v54;
	v56 =	vor.u32 v58, v0;
	v0 =	vmov s26  }
0x48: {  	s10 =	simm.s32 $0x480;
	[smem:$0x7FF] =	sst s2;
	v57 =	vshll.u32 v57, $0xA;
	v61 =	vshll.u32 v61, $0xA;
	s28 =	sshrl.u32 s5, $0x3;
	v0 =	vshll.u32 v0, $0xA  }
0x49: {  	v57 =	vor.u32 v58, v57;
	s31 =	sor.u32 $0x3E0, s5;
	s6 =	rddreg [dreg:$0x1];
	s9 =	ssub.s32 $0x2, s3;
	v59 =	vor.u32 v58, v0;
	v0 =	vshll.u32 v60, $0xA  }
0x4a: {  	v61 =	vor.u32 v58, v61;
	_ =	strace $0x8000004A;
	s25 =	sshrl.u32 s9, $0x1;
	s12 =	sor.u32 $0x3F0, s5;
	v60 =	vor.u32 v58, v0;
	v0 =	vmov s30  }
0x4b: {  	v63 =	vmov s31;
	s3 =	sadd.s32 $0x800, s4;
	s4 =	sadd.s32 s6, s28;
	s9 =	ssub.s32 s9, s25;
	v1 =	vmov s12;
	v0 =	vshll.u32 v0, $0xA  }
0x4c: {  	s6 =	simm.s32 $0x2;
	s5 =	smax.u32 s9, $0x1;
	s9 =	simm.s32 $0x800;
	v1 =	vshll.u32 v1, $0xA;
	v62 =	vor.u32 v58, v0;
	v0 =	vshll.u32 v63, $0xA  }
0x4d: {  	s12 =	simm.s32 $0x580;
	s15 =	simm.s32 $0x700;
	s7 =	simm.s32 $0x80;
	v63 =	vor.u32 v58, v0;
	v58 =	vor.u32 v58, v1;
	v0 =	vimm.f32 $1.000000000e+00  }
.LBB2_1:
0x4e: {  	[tilespmem:s2], [sflag:$0x2] =	stream.linear.gather [hbm4b:s4+s2], $0x400, $0x38;
	[tilespmem:$0x880] =	vst v63  }
0x4f: {  	_ =	swait.ge [sflag:s6], $0x400  }
0x50: {  	[sflag:s6] =	ssyncset.done $0x0  }
0x51: {  	v6 =	vld [tilespmem:$0x1FF90];
	[sflag:s6] =	ssyncadd.s32 $0xFFFFFC00  }
0x52: {  	v1 =	vld [tilespmem:$0x0];
	_ =	sdelay $0x4  }
0x53: {  	v2 =	vld [tilespmem:$0x10];
	v1 =	vadd.s32 v6, v1  }
0x54: {  	[tilespmem:$0x400] =	vst v1;
	v1 =	vld [tilespmem:$0x1FFA0];
	_ =	sdelay $0x4  }
0x55: {  	v3 =	vld [tilespmem:$0x20];
	v1 =	vadd.s32 v1, v2  }
0x56: {  	[tilespmem:$0x410] =	vst v1;
	v1 =	vld [tilespmem:$0x1FFB0];
	_ =	sdelay $0x4  }
0x57: {  	v4 =	vld [tilespmem:$0x30];
	v1 =	vadd.s32 v1, v3  }
0x58: {  	[tilespmem:$0x420] =	vst v1;
	v1 =	vld [tilespmem:$0x1FFC0];
	_ =	sdelay $0x4  }
0x59: {  	v5 =	vld [tilespmem:$0x40];
	v1 =	vadd.s32 v1, v4  }
0x5a: {  	[tilespmem:$0x430] =	vst v1;
	v1 =	vld [tilespmem:$0x1FFD0];
	_ =	sdelay $0x4  }
0x5b: {  	v6 =	vld [tilespmem:$0x50];
	v1 =	vadd.s32 v1, v5  }
0x5c: {  	[tilespmem:$0x440] =	vst v1;
	v1 =	vld [tilespmem:$0x1FFE0];
	_ =	sdelay $0x2  }
0x5d: {  	[tilespmem:$0x800] =	vst v0  }
0x5e: {  	[tilespmem:$0x810] =	vst v0  }
0x5f: {  	[tilespmem:$0x820] =	vst v0;
	v2 =	vld [tilespmem:$0x60];
	v1 =	vadd.s32 v1, v6  }
0x60: {  	[tilespmem:$0x450] =	vst v1;
	v1 =	vld [tilespmem:$0x1FFF0]  }
0x61: {  	[tilespmem:$0x830] =	vst v0;
	v3 =	vld [tilespmem:$0x70]  }
0x62: {  	[tilespmem:$0x840] =	vst v0;
	v4 =	vld [tilespmem:$0x80]  }
0x63: {  	[tilespmem:$0x850] =	vst v0;
	v5 =	vld [tilespmem:$0x90]  }
0x64: {  	[tilespmem:$0x860] =	vst v0;
	v6 =	vld [tilespmem:$0xA0]  }
0x65: {  	[tilespmem:$0x870] =	vst v0;
	v1 =	vadd.s32 v1, v2;
	v2 =	vld [tilespmem:$0xB0]  }
0x66: {  	[tilespmem:$0x460] =	vst v1;
	v1 =	vadd.s32 v7, v3;
	v3 =	vld [tilespmem:$0xC0]  }
0x67: {  	[tilespmem:$0x470] =	vst v1;
	v1 =	vadd.s32 v8, v4;
	v4 =	vld [tilespmem:$0xD0]  }
0x68: {  	[tilespmem:$0x480] =	vst v1;
	v1 =	vadd.s32 v9, v5;
	v5 =	vld [tilespmem:$0xE0]  }
0x69: {  	[tilespmem:$0x490] =	vst v1;
	v1 =	vadd.s32 v10, v6;
	v6 =	vld [tilespmem:$0xF0]  }
0x6a: {  	[tilespmem:$0x4A0] =	vst v1;
	v1 =	vadd.s32 v11, v2;
	v2 =	vld [tilespmem:$0x100]  }
0x6b: {  	[tilespmem:$0x4B0] =	vst v1;
	v1 =	vadd.s32 v12, v3;
	v3 =	vld [tilespmem:$0x110]  }
0x6c: {  	[tilespmem:$0x4C0] =	vst v1;
	v1 =	vadd.s32 v13, v4;
	v4 =	vld [tilespmem:$0x120]  }
0x6d: {  	[tilespmem:$0x4D0] =	vst v1;
	v1 =	vadd.s32 v14, v5;
	v5 =	vld [tilespmem:$0x130]  }
0x6e: {  	[tilespmem:$0x4E0] =	vst v1;
	v1 =	vadd.s32 v15, v6;
	v6 =	vld [tilespmem:$0x140]  }
0x6f: {  	[tilespmem:$0x4F0] =	vst v1;
	v1 =	vadd.s32 v16, v2;
	v2 =	vld [tilespmem:$0x150]  }
0x70: {  	[tilespmem:$0x500] =	vst v1;
	v1 =	vadd.s32 v17, v3;
	v3 =	vld [tilespmem:$0x160]  }
0x71: {  	[tilespmem:$0x510] =	vst v1;
	v1 =	vadd.s32 v18, v4;
	v4 =	vld [tilespmem:$0x170]  }
0x72: {  	[tilespmem:$0x520] =	vst v1;
	v1 =	vadd.s32 v19, v5;
	v5 =	vld [tilespmem:$0x180]  }
0x73: {  	[tilespmem:$0x530] =	vst v1;
	v1 =	vadd.s32 v20, v6;
	v6 =	vld [tilespmem:$0x190]  }
0x74: {  	[tilespmem:$0x540] =	vst v1;
	v1 =	vadd.s32 v21, v2;
	v2 =	vld [tilespmem:$0x1A0]  }
0x75: {  	[tilespmem:$0x550] =	vst v1;
	v1 =	vadd.s32 v22, v3;
	v3 =	vld [tilespmem:$0x1B0]  }
0x76: {  	[tilespmem:$0x560] =	vst v1;
	v1 =	vadd.s32 v23, v4;
	v4 =	vld [tilespmem:$0x1C0]  }
0x77: {  	[tilespmem:$0x570] =	vst v1;
	v1 =	vadd.s32 v24, v5;
	v5 =	vld [tilespmem:$0x1D0]  }
0x78: {  	[tilespmem:$0x580] =	vst v1;
	v1 =	vadd.s32 v25, v6;
	v6 =	vld [tilespmem:$0x1E0]  }
0x79: {  	[tilespmem:$0x590] =	vst v1;
	v1 =	vadd.s32 v26, v2;
	v2 =	vld [tilespmem:$0x1F0]  }
0x7a: {  	[tilespmem:$0x5A0] =	vst v1;
	v1 =	vadd.s32 v27, v3;
	v3 =	vld [tilespmem:$0x200]  }
0x7b: {  	[tilespmem:$0x5B0] =	vst v1;
	v1 =	vadd.s32 v28, v4;
	v4 =	vld [tilespmem:$0x210]  }
0x7c: {  	[tilespmem:$0x5C0] =	vst v1;
	v1 =	vadd.s32 v29, v5;
	v5 =	vld [tilespmem:$0x220]  }
0x7d: {  	[tilespmem:$0x5D0] =	vst v1;
	v1 =	vadd.s32 v30, v6;
	v6 =	vld [tilespmem:$0x230]  }
0x7e: {  	[tilespmem:$0x5E0] =	vst v1;
	v1 =	vadd.s32 v31, v2;
	v2 =	vld [tilespmem:$0x240]  }
0x7f: {  	[tilespmem:$0x5F0] =	vst v1;
	v1 =	vadd.s32 v32, v3;
	v3 =	vld [tilespmem:$0x250]  }
0x80: {  	[tilespmem:$0x600] =	vst v1;
	v1 =	vadd.s32 v33, v4;
	v4 =	vld [tilespmem:$0x260]  }
0x81: {  	[tilespmem:$0x610] =	vst v1;
	v1 =	vadd.s32 v34, v5;
	v5 =	vld [tilespmem:$0x270]  }
0x82: {  	[tilespmem:$0x620] =	vst v1;
	v1 =	vadd.s32 v35, v6;
	v6 =	vld [tilespmem:$0x280]  }
0x83: {  	[tilespmem:$0x630] =	vst v1;
	v1 =	vadd.s32 v36, v2;
	v2 =	vld [tilespmem:$0x290]  }
0x84: {  	[tilespmem:$0x640] =	vst v1;
	v1 =	vadd.s32 v37, v3;
	v3 =	vld [tilespmem:$0x2A0]  }
0x85: {  	[tilespmem:$0x650] =	vst v1;
	v1 =	vadd.s32 v38, v4;
	v4 =	vld [tilespmem:$0x2B0]  }
0x86: {  	[tilespmem:$0x660] =	vst v1;
	v1 =	vadd.s32 v39, v5;
	v5 =	vld [tilespmem:$0x2C0]  }
0x87: {  	[tilespmem:$0x670] =	vst v1;
	v1 =	vadd.s32 v40, v6;
	v6 =	vld [tilespmem:$0x2D0]  }
0x88: {  	[tilespmem:$0x680] =	vst v1;
	v1 =	vadd.s32 v41, v2;
	v2 =	vld [tilespmem:$0x2E0]  }
0x89: {  	[tilespmem:$0x690] =	vst v1;
	v1 =	vadd.s32 v42, v3;
	v3 =	vld [tilespmem:$0x2F0]  }
0x8a: {  	[tilespmem:$0x6A0] =	vst v1;
	v1 =	vadd.s32 v43, v4;
	v4 =	vld [tilespmem:$0x300]  }
0x8b: {  	[tilespmem:$0x6B0] =	vst v1;
	v1 =	vadd.s32 v44, v5;
	v5 =	vld [tilespmem:$0x310]  }
0x8c: {  	[tilespmem:$0x6C0] =	vst v1;
	v1 =	vadd.s32 v45, v6;
	v6 =	vld [tilespmem:$0x320]  }
0x8d: {  	[tilespmem:$0x6D0] =	vst v1;
	v1 =	vadd.s32 v46, v2;
	v2 =	vld [tilespmem:$0x330]  }
0x8e: {  	[tilespmem:$0x6E0] =	vst v1;
	v1 =	vadd.s32 v47, v3;
	v3 =	vld [tilespmem:$0x340]  }
0x8f: {  	[tilespmem:$0x6F0] =	vst v1;
	v1 =	vadd.s32 v48, v4;
	v4 =	vld [tilespmem:$0x350]  }
0x90: {  	[tilespmem:$0x700] =	vst v1;
	v1 =	vadd.s32 v49, v5;
	v5 =	vld [tilespmem:$0x360]  }
0x91: {  	[tilespmem:$0x710] =	vst v1;
	v1 =	vadd.s32 v50, v6;
	v6 =	vld [tilespmem:$0x370]  }
0x92: {  	[tilespmem:$0x720] =	vst v1;
	v1 =	vadd.s32 v51, v2;
	v2 =	vld [tilespmem:$0x380]  }
0x93: {  	[tilespmem:$0x730] =	vst v1;
	v1 =	vadd.s32 v52, v3;
	v3 =	vld [tilespmem:$0x390]  }
0x94: {  	[tilespmem:$0x740] =	vst v1;
	v1 =	vadd.s32 v53, v4;
	v4 =	vld [tilespmem:$0x3A0]  }
0x95: {  	[tilespmem:$0x750] =	vst v1;
	v1 =	vadd.s32 v54, v5;
	v5 =	vld [tilespmem:$0x3B0]  }
0x96: {  	[tilespmem:$0x760] =	vst v1;
	v1 =	vadd.s32 v55, v6;
	v6 =	vld [tilespmem:$0x3C0]  }
0x97: {  	[tilespmem:$0x770] =	vst v1;
	v1 =	vadd.s32 v56, v2;
	v2 =	vld [tilespmem:$0x3D0]  }
0x98: {  	[tilespmem:$0x780] =	vst v1;
	v1 =	vadd.s32 v57, v3;
	v3 =	vld [tilespmem:$0x3E0]  }
0x99: {  	[tilespmem:$0x790] =	vst v1;
	v1 =	vadd.s32 v59, v4;
	v4 =	vld [tilespmem:$0x3F0]  }
0x9a: {  	[tilespmem:$0x7A0] =	vst v1;
	v1 =	vadd.s32 v60, v5  }
0x9b: {  	[tilespmem:$0x7B0] =	vst v1;
	v1 =	vadd.s32 v61, v6  }
0x9c: {  	[tilespmem:$0x7C0] =	vst v1;
	v1 =	vadd.s32 v62, v2  }
0x9d: {  	[tilespmem:$0x7D0] =	vst v1;
	v1 =	vadd.s32 v63, v3  }
0x9e: {  	[tilespmem:$0x7E0] =	vst v1;
	v1 =	vadd.s32 v58, v4  }
0x9f: {  	[tilespmem:$0x7F0] =	vst v1  }
0xa0: {  	[hbm4b:s3+s7] =	stream.indirect.scatter [tilespmem:s9], [sflag:$0x1], $0x1, s8, s7, $0xb8;
	[tilespmem:$0x880] =	vst v63  }
0xa1: {  	_ = 	snop  }
0xa2: {  	[hbm4b:s3+s7] =	stream.indirect.scatter [tilespmem:s9], [sflag:$0x1], $0x1, s10, s7, $0xb8;
	[tilespmem:$0x880] =	vst v63  }
0xa3: {  	_ = 	snop  }
0xa4: {  	[hbm4b:s3+s7] =	stream.indirect.scatter [tilespmem:s9], [sflag:$0x1], $0x1, s11, s7, $0xb8;
	[tilespmem:$0x880] =	vst v63  }
0xa5: {  	_ = 	snop  }
0xa6: {  	[hbm4b:s3+s7] =	stream.indirect.scatter [tilespmem:s9], [sflag:$0x1], $0x1, s12, s7, $0xb8;
	[tilespmem:$0x880] =	vst v63  }
0xa7: {  	_ = 	snop  }
0xa8: {  	[hbm4b:s3+s7] =	stream.indirect.scatter [tilespmem:s9], [sflag:$0x1], $0x1, s13, s7, $0xb8;
	[tilespmem:$0x880] =	vst v63  }
0xa9: {  	_ = 	snop  }
0xaa: {  	[hbm4b:s3+s7] =	stream.indirect.scatter [tilespmem:s9], [sflag:$0x1], $0x1, s14, s7, $0xb8;
	[tilespmem:$0x880] =	vst v63  }
0xab: {  	_ = 	snop  }
0xac: {  	[hbm4b:s3+s7] =	stream.indirect.scatter [tilespmem:s9], [sflag:$0x1], $0x1, s15, s7, $0xb8;
	[tilespmem:$0x880] =	vst v63  }
0xad: {  	_ = 	snop  }
0xae: {  	[hbm4b:s3+s7] =	stream.indirect.scatter [tilespmem:s9], [sflag:$0x1], $0x1, s16, s7, $0xb8;
	[tilespmem:$0x880] =	vst v63  }
0xaf: {  	_ =	swait.ge [sflag:s17], $0x80  }
0xb0: {  	[sflag:s17] =	ssyncset.done $0x0  }
0xb1: {  	[sflag:s17] =	ssyncadd.s32 $0xFFFFFF80  }
0xb2: {  	_ =	swait.ge [sflag:s17], $0x80  }
0xb3: {  	[sflag:s17] =	ssyncset.done $0x0  }
0xb4: {  	[sflag:s17] =	ssyncadd.s32 $0xFFFFFF80  }
0xb5: {  	_ =	swait.ge [sflag:s17], $0x80  }
0xb6: {  	[sflag:s17] =	ssyncset.done $0x0  }
0xb7: {  	[sflag:s17] =	ssyncadd.s32 $0xFFFFFF80  }
0xb8: {  	_ =	swait.ge [sflag:s17], $0x80  }
0xb9: {  	[sflag:s17] =	ssyncset.done $0x0  }
0xba: {  	[sflag:s17] =	ssyncadd.s32 $0xFFFFFF80  }
0xbb: {  	_ =	swait.ge [sflag:s17], $0x80  }
0xbc: {  	[sflag:s17] =	ssyncset.done $0x0  }
0xbd: {  	[sflag:s17] =	ssyncadd.s32 $0xFFFFFF80  }
0xbe: {  	_ =	swait.ge [sflag:s17], $0x80  }
0xbf: {  	[sflag:s17] =	ssyncset.done $0x0  }
0xc0: {  	[sflag:s17] =	ssyncadd.s32 $0xFFFFFF80  }
0xc1: {  	p0 =	sne.s32 s5, $0x1;
	_ =	swait.ge [sflag:s17], $0x80  }
.Ltmp0:
0xc2: {  	[sflag:s17] =	ssyncset.done $0x0;
	(pc) =	sbr.rel @p0 .LBB2_1-.Ltmp0, $4  }
0xc3: {  	[sflag:s17] =	ssyncadd.s32 $0xFFFFFF80  }
0xc4: {  	_ =	swait.ge [sflag:s17], $0x80  }
0xc5: {  	[sflag:s17] =	ssyncset.done $0x0  }
0xc6: {  	s5 =	sadd.s32 $0xFFFFFFFF, s5;
	[sflag:s17] =	ssyncadd.s32 $0xFFFFFF80  }
0xc7: {  	_ =	sfence.sel $0x180000  }
0xc8: {  	[bflag:$0x0] =	sbarrier.arrive $0xFFFF  }
0xc9: {  	p0 =	sne.s32 s0, $0x0;
	_ =	strace $0x9000004A  }
0xca: {  	s0 =	sadd.s32 @!p0 $0x100000, s1;
	[bflag:$0x2] =	sbarrier.arrive $0xFFFF  }
0xcb: {  	[sflag:s0] =	ssyncadd.tile.s32 @!p0 $0x1;
	_ =	shalt  }
.Lfunc_end2:
_tile_overlayer_lowered:
.L_overlay_start_2:
0xcc: {  	(tag) =	ssettag $0x2  }
0xcd: {  	s0 =	rddreg [dreg:$0x0];
	s2 =	stileid.u32  }
0xce: {  	s1 =	rddreg [dreg:$0x1];
	p0 =	sne.s32 s2, $0x0  }
0xcf: {  	s3 =	rddreg [dreg:$0x2];
	[bflag:$0x3] =	sbarrier.arrive $0xFFFF;
	s2 =	simm.s32 @!p0 $0x1C02  }
0xd0: {  	[timem:s3], [sflag:s2] =	dma.local @!p0 [hbm:s0], s1  }
0xd1: {  	s0 =	simm.s32 @!p0 $0x2  }
0xd2: {  	_ =	swait.ge @!p0 [sflag:s0], s1  }
0xd3: {  	s1 =	ssub.s32 @!p0 $0x0, s1;
	[sflag:s0] =	ssyncset.done @!p0 $0x0  }
0xd4: {  	[sflag:s0] =	ssyncadd.s32 @!p0 s1  }
0xd5: {  	[bflag:$0x3] =	sbarrier.arrive $0xFFFF  }
0xd6: {  	_ =	shalt  }

</sc_bundles>
